<compile_context>
chip_gen: v7x
topology: tpu7x:2x2x1
jax: 0.10.2.dev20260603
libtpu: 0.0.44.dev20260713+nightly
codegen_flags: <defaults>
</compile_context>

<pallas_src>
import functools

import jax
import jax.numpy as jnp
from jax import lax
from jax.experimental import pallas as pl
from jax.experimental.pallas import tpu as pltpu
from jax.experimental.pallas import tpu_sc as plsc

D = 128
CHUNK = 128
NC = 2
NS = 16
NW = NC * NS


@functools.lru_cache(maxsize=None)
def _make_gather(b: int, nbuf: int):
    n_full = b // CHUNK
    n_chunks = -(-b // CHUNK)
    n_slots = -(-n_chunks // NW)
    tail = b % CHUNK
    mesh = plsc.VectorSubcoreMesh(
        core_axis_name="c", subcore_axis_name="s",
        num_cores=NC, num_subcores=NS,
    )

    @functools.partial(
        pl.kernel,
        mesh=mesh,
        out_type=jax.ShapeDtypeStruct((b, D), jnp.float32),
        scratch_types=[
            pltpu.VMEM((n_slots, CHUNK), jnp.int32)]
            + [pltpu.VMEM((CHUNK, D), jnp.float32)] * nbuf
            + [pltpu.SemaphoreType.DMA] * n_slots
            + [pltpu.SemaphoreType.DMA] * (2 * nbuf),
    )
    def gather_kernel(table, idx, out, idx_v, *bufs_sems):
        rows = bufs_sems[:nbuf]
        si = bufs_sems[nbuf:nbuf + n_slots]
        sg = bufs_sems[nbuf + n_slots:nbuf + n_slots + nbuf]
        sw = bufs_sems[nbuf + n_slots + nbuf:]
        wid = lax.axis_index("s") * NC + lax.axis_index("c")

        cis = [wid * n_slots + c for c in range(n_slots)]
        starts = [
            jnp.where(ci < n_full, ci * CHUNK,
                      jnp.where(ci == n_full, b - CHUNK,
                                (ci - n_chunks) * CHUNK)).astype(jnp.int32)
            for ci in cis
        ]

        idx_cps = []
        for c in range(n_slots):
            cp = pltpu.make_async_copy(
                idx.at[pl.ds(starts[c], CHUNK)], idx_v.at[c], si[c])
            cp.start()
            idx_cps.append(cp)

        def is_real(c):
            return cis[c] < n_chunks

        def start_gather(c, bf):
            @pl.when(is_real(c))
            def _():
                pltpu.make_async_copy(
                    table.at[idx_v.at[c]], rows[bf], sg[bf]).start()

        def wait_gather(c, bf):
            @pl.when(is_real(c))
            def _():
                pltpu.make_async_copy(
                    table.at[idx_v.at[c]], rows[bf], sg[bf]).wait()

        def _slot_can_be_tail(c):
            return tail and (n_full - c) % n_slots == 0

        def start_write(c, bf):
            ci = cis[c]

            @pl.when(ci < n_full)
            def _():
                pltpu.make_async_copy(
                    rows[bf], out.at[pl.ds(starts[c], CHUNK)], sw[bf]).start()

            if _slot_can_be_tail(c):
                @pl.when(ci == n_full)
                def _():
                    pltpu.make_async_copy(
                        rows[bf].at[pl.ds(CHUNK - tail, tail)],
                        out.at[pl.ds(b - tail, tail)], sw[bf]).start()

        def wait_write(c, bf):
            ci = cis[c]

            @pl.when(ci < n_full)
            def _():
                pltpu.make_async_copy(
                    rows[bf], out.at[pl.ds(0, CHUNK)], sw[bf]).wait()

            if _slot_can_be_tail(c):
                @pl.when(ci == n_full)
                def _():
                    pltpu.make_async_copy(
                        rows[bf].at[pl.ds(0, tail)],
                        out.at[pl.ds(0, tail)], sw[bf]).wait()

        last_user = [None] * nbuf
        for c in range(nbuf - 1):
            idx_cps[c].wait()
            start_gather(c, c)
        for c in range(n_slots):
            bf = c % nbuf
            nxt = c + nbuf - 1
            if nxt < n_slots:
                bn = nxt % nbuf
                if last_user[bn] is not None:
                    wait_write(last_user[bn], bn)
                idx_cps[nxt].wait()
                start_gather(nxt, bn)
            wait_gather(c, bf)
            start_write(c, bf)
            last_user[bf] = c
        for c in range(max(0, n_slots - nbuf), n_slots):
            wait_write(c, c % nbuf)

    return gather_kernel


def kernel(graph, feat, select_idx):
    idx = select_idx.astype(jnp.int32)
    fn = _make_gather(idx.shape[0], 7)
    return fn(feat, idx)

# --- scband reference (transcript-rebuilt; emitter-appended) ---
"""Pipeline reference for scband-graph-pool-57097295233742 (READ-ONLY COPY).

The authoritative reference and input builder live on the scoring server;
editing this copy changes nothing except your own understanding.
"""

import jax, jax.numpy as jnp
import numpy as np


def setup_inputs(seed: int = 0) -> dict:
    key = jax.random.key(seed)
    k1, k2, k3 = jax.random.split(key, 3)
    # graph stand-in: with use_gcn=False the Batch object is never touched,
    # so a small dummy edge_index tensor is passed in its place.
    graph = jax.random.randint(k1, (2, 100), 0, 100000, dtype=jnp.int64)
    feat = jax.random.normal(k2, (100000, 128), dtype=jnp.float32)
    select_idx = jax.random.randint(k3, (50000,), 0, 100000, dtype=jnp.int64)
    return {"graph": graph, "feat": feat, "select_idx": select_idx}


def reference(graph, feat, select_idx):
    # GraphPool.forward with use_gcn=False, scores=None, pool_graph=False:
    # pure node gather feat[select_idx]
    out = jnp.take(feat, select_idx, axis=0)
    return out

if __name__ == "__main__":
    import jax
    _d = setup_inputs()
    print(jax.jit(kernel)(*tuple(_d.values())))

</pallas_src>

<mosaic_0001>
#map = affine_map<(d0, d1) -> (0, 0)>
#map1 = affine_map<(d0, d1) -> (0)>
module attributes {stable_mosaic.version = 14 : i64} {
  func.func @gather_kernel(%arg0: i32, %arg1: i32, %arg2: memref<100000x128xf32, #tpu.memory_space<hbm>>, %arg3: memref<50000xi32, #tpu.memory_space<hbm>>, %arg4: memref<50000x128xf32, #tpu.memory_space<hbm>>, %arg5: memref<13x128xi32, #tpu.memory_space<vmem>>, %arg6: memref<128x128xf32, #tpu.memory_space<vmem>>, %arg7: memref<128x128xf32, #tpu.memory_space<vmem>>, %arg8: memref<128x128xf32, #tpu.memory_space<vmem>>, %arg9: memref<128x128xf32, #tpu.memory_space<vmem>>, %arg10: memref<128x128xf32, #tpu.memory_space<vmem>>, %arg11: memref<128x128xf32, #tpu.memory_space<vmem>>, %arg12: memref<128x128xf32, #tpu.memory_space<vmem>>, %arg13: memref<!tpu.dma_semaphore, #tpu.memory_space<semaphore_mem>>, %arg14: memref<!tpu.dma_semaphore, #tpu.memory_space<semaphore_mem>>, %arg15: memref<!tpu.dma_semaphore, #tpu.memory_space<semaphore_mem>>, %arg16: memref<!tpu.dma_semaphore, #tpu.memory_space<semaphore_mem>>, %arg17: memref<!tpu.dma_semaphore, #tpu.memory_space<semaphore_mem>>, %arg18: memref<!tpu.dma_semaphore, #tpu.memory_space<semaphore_mem>>, %arg19: memref<!tpu.dma_semaphore, #tpu.memory_space<semaphore_mem>>, %arg20: memref<!tpu.dma_semaphore, #tpu.memory_space<semaphore_mem>>, %arg21: memref<!tpu.dma_semaphore, #tpu.memory_space<semaphore_mem>>, %arg22: memref<!tpu.dma_semaphore, #tpu.memory_space<semaphore_mem>>, %arg23: memref<!tpu.dma_semaphore, #tpu.memory_space<semaphore_mem>>, %arg24: memref<!tpu.dma_semaphore, #tpu.memory_space<semaphore_mem>>, %arg25: memref<!tpu.dma_semaphore, #tpu.memory_space<semaphore_mem>>, %arg26: memref<!tpu.dma_semaphore, #tpu.memory_space<semaphore_mem>>, %arg27: memref<!tpu.dma_semaphore, #tpu.memory_space<semaphore_mem>>, %arg28: memref<!tpu.dma_semaphore, #tpu.memory_space<semaphore_mem>>, %arg29: memref<!tpu.dma_semaphore, #tpu.memory_space<semaphore_mem>>, %arg30: memref<!tpu.dma_semaphore, #tpu.memory_space<semaphore_mem>>, %arg31: memref<!tpu.dma_semaphore, #tpu.memory_space<semaphore_mem>>, %arg32: memref<!tpu.dma_semaphore, #tpu.memory_space<semaphore_mem>>, %arg33: memref<!tpu.dma_semaphore, #tpu.memory_space<semaphore_mem>>, %arg34: memref<!tpu.dma_semaphore, #tpu.memory_space<semaphore_mem>>, %arg35: memref<!tpu.dma_semaphore, #tpu.memory_space<semaphore_mem>>, %arg36: memref<!tpu.dma_semaphore, #tpu.memory_space<semaphore_mem>>, %arg37: memref<!tpu.dma_semaphore, #tpu.memory_space<semaphore_mem>>, %arg38: memref<!tpu.dma_semaphore, #tpu.memory_space<semaphore_mem>>, %arg39: memref<!tpu.dma_semaphore, #tpu.memory_space<semaphore_mem>>) attributes {dimension_semantics = [#tpu.dimension_semantics<core_parallel>, #tpu.dimension_semantics<subcore_parallel>], iteration_bounds = array<i64: 2, 16>, scalar_prefetch = 0 : i64, scratch_operands = 35 : i64, tpu.core_type = #tpu.core_type<sc_vector_subcore>, window_params = [{transform_indices = #map}, {transform_indices = #map1}, {transform_indices = #map}]} {
    %mul3A = arith.constant 2 : i32
    %mul3A_0 = arith.muli %arg1, %mul3A : i32
    %add3A = arith.addi %mul3A_0, %arg0 : i32
    %mul3A_1 = arith.constant 13 : i32
    %mul3A_2 = arith.muli %add3A, %mul3A_1 : i32
    %add3A_3 = arith.constant 0 : i32
    %add3A_4 = arith.addi %mul3A_2, %add3A_3 : i32
    %mul3A_5 = arith.constant 13 : i32
    %mul3A_6 = arith.muli %add3A, %mul3A_5 : i32
    %add3A_7 = arith.constant 1 : i32
    %add3A_8 = arith.addi %mul3A_6, %add3A_7 : i32
    %mul3A_9 = arith.constant 13 : i32
    %mul3A_10 = arith.muli %add3A, %mul3A_9 : i32
    %add3A_11 = arith.constant 2 : i32
    %add3A_12 = arith.addi %mul3A_10, %add3A_11 : i32
    %mul3A_13 = arith.constant 13 : i32
    %mul3A_14 = arith.muli %add3A, %mul3A_13 : i32
    %add3A_15 = arith.constant 3 : i32
    %add3A_16 = arith.addi %mul3A_14, %add3A_15 : i32
    %mul3A_17 = arith.constant 13 : i32
    %mul3A_18 = arith.muli %add3A, %mul3A_17 : i32
    %add3A_19 = arith.constant 4 : i32
    %add3A_20 = arith.addi %mul3A_18, %add3A_19 : i32
    %mul3A_21 = arith.constant 13 : i32
    %mul3A_22 = arith.muli %add3A, %mul3A_21 : i32
    %add3A_23 = arith.constant 5 : i32
    %add3A_24 = arith.addi %mul3A_22, %add3A_23 : i32
    %mul3A_25 = arith.constant 13 : i32
    %mul3A_26 = arith.muli %add3A, %mul3A_25 : i32
    %add3A_27 = arith.constant 6 : i32
    %add3A_28 = arith.addi %mul3A_26, %add3A_27 : i32
    %mul3A_29 = arith.constant 13 : i32
    %mul3A_30 = arith.muli %add3A, %mul3A_29 : i32
    %add3A_31 = arith.constant 7 : i32
    %add3A_32 = arith.addi %mul3A_30, %add3A_31 : i32
    %mul3A_33 = arith.constant 13 : i32
    %mul3A_34 = arith.muli %add3A, %mul3A_33 : i32
    %add3A_35 = arith.constant 8 : i32
    %add3A_36 = arith.addi %mul3A_34, %add3A_35 : i32
    %mul3A_37 = arith.constant 13 : i32
    %mul3A_38 = arith.muli %add3A, %mul3A_37 : i32
    %add3A_39 = arith.constant 9 : i32
    %add3A_40 = arith.addi %mul3A_38, %add3A_39 : i32
    %mul3A_41 = arith.constant 13 : i32
    %mul3A_42 = arith.muli %add3A, %mul3A_41 : i32
    %add3A_43 = arith.constant 10 : i32
    %add3A_44 = arith.addi %mul3A_42, %add3A_43 : i32
    %mul3A_45 = arith.constant 13 : i32
    %mul3A_46 = arith.muli %add3A, %mul3A_45 : i32
    %add3A_47 = arith.constant 11 : i32
    %add3A_48 = arith.addi %mul3A_46, %add3A_47 : i32
    %mul3A_49 = arith.constant 13 : i32
    %mul3A_50 = arith.muli %add3A, %mul3A_49 : i32
    %add3A_51 = arith.constant 12 : i32
    %add3A_52 = arith.addi %mul3A_50, %add3A_51 : i32
    %lt3A = arith.constant 390 : i32
    %lt3A_53 = arith.cmpi slt, %add3A_4, %lt3A : i32
    %mul3A_54 = arith.constant 128 : i32
    %mul3A_55 = arith.muli %add3A_4, %mul3A_54 : i32
    %eq3A = arith.constant 390 : i32
    %eq3A_56 = arith.cmpi eq, %add3A_4, %eq3A : i32
    %sub3A = arith.constant 391 : i32
    %sub3A_57 = arith.subi %add3A_4, %sub3A : i32
    %mul3A_58 = arith.constant 128 : i32
    %mul3A_59 = arith.muli %sub3A_57, %mul3A_58 : i32
    %jit3A = arith.constant 49872 : i32
    %select_n3A = arith.select %eq3A_56, %jit3A, %mul3A_59 : i32
    %select_n3A_60 = arith.select %lt3A_53, %mul3A_55, %select_n3A : i32
    %lt3A_61 = arith.constant 390 : i32
    %lt3A_62 = arith.cmpi slt, %add3A_8, %lt3A_61 : i32
    %mul3A_63 = arith.constant 128 : i32
    %mul3A_64 = arith.muli %add3A_8, %mul3A_63 : i32
    %eq3A_65 = arith.constant 390 : i32
    %eq3A_66 = arith.cmpi eq, %add3A_8, %eq3A_65 : i32
    %sub3A_67 = arith.constant 391 : i32
    %sub3A_68 = arith.subi %add3A_8, %sub3A_67 : i32
    %mul3A_69 = arith.constant 128 : i32
    %mul3A_70 = arith.muli %sub3A_68, %mul3A_69 : i32
    %jit3A_71 = arith.constant 49872 : i32
    %select_n3A_72 = arith.select %eq3A_66, %jit3A_71, %mul3A_70 : i32
    %select_n3A_73 = arith.select %lt3A_62, %mul3A_64, %select_n3A_72 : i32
    %lt3A_74 = arith.constant 390 : i32
    %lt3A_75 = arith.cmpi slt, %add3A_12, %lt3A_74 : i32
    %mul3A_76 = arith.constant 128 : i32
    %mul3A_77 = arith.muli %add3A_12, %mul3A_76 : i32
    %eq3A_78 = arith.constant 390 : i32
    %eq3A_79 = arith.cmpi eq, %add3A_12, %eq3A_78 : i32
    %sub3A_80 = arith.constant 391 : i32
    %sub3A_81 = arith.subi %add3A_12, %sub3A_80 : i32
    %mul3A_82 = arith.constant 128 : i32
    %mul3A_83 = arith.muli %sub3A_81, %mul3A_82 : i32
    %jit3A_84 = arith.constant 49872 : i32
    %select_n3A_85 = arith.select %eq3A_79, %jit3A_84, %mul3A_83 : i32
    %select_n3A_86 = arith.select %lt3A_75, %mul3A_77, %select_n3A_85 : i32
    %lt3A_87 = arith.constant 390 : i32
    %lt3A_88 = arith.cmpi slt, %add3A_16, %lt3A_87 : i32
    %mul3A_89 = arith.constant 128 : i32
    %mul3A_90 = arith.muli %add3A_16, %mul3A_89 : i32
    %eq3A_91 = arith.constant 390 : i32
    %eq3A_92 = arith.cmpi eq, %add3A_16, %eq3A_91 : i32
    %sub3A_93 = arith.constant 391 : i32
    %sub3A_94 = arith.subi %add3A_16, %sub3A_93 : i32
    %mul3A_95 = arith.constant 128 : i32
    %mul3A_96 = arith.muli %sub3A_94, %mul3A_95 : i32
    %jit3A_97 = arith.constant 49872 : i32
    %select_n3A_98 = arith.select %eq3A_92, %jit3A_97, %mul3A_96 : i32
    %select_n3A_99 = arith.select %lt3A_88, %mul3A_90, %select_n3A_98 : i32
    %lt3A_100 = arith.constant 390 : i32
    %lt3A_101 = arith.cmpi slt, %add3A_20, %lt3A_100 : i32
    %mul3A_102 = arith.constant 128 : i32
    %mul3A_103 = arith.muli %add3A_20, %mul3A_102 : i32
    %eq3A_104 = arith.constant 390 : i32
    %eq3A_105 = arith.cmpi eq, %add3A_20, %eq3A_104 : i32
    %sub3A_106 = arith.constant 391 : i32
    %sub3A_107 = arith.subi %add3A_20, %sub3A_106 : i32
    %mul3A_108 = arith.constant 128 : i32
    %mul3A_109 = arith.muli %sub3A_107, %mul3A_108 : i32
    %jit3A_110 = arith.constant 49872 : i32
    %select_n3A_111 = arith.select %eq3A_105, %jit3A_110, %mul3A_109 : i32
    %select_n3A_112 = arith.select %lt3A_101, %mul3A_103, %select_n3A_111 : i32
    %lt3A_113 = arith.constant 390 : i32
    %lt3A_114 = arith.cmpi slt, %add3A_24, %lt3A_113 : i32
    %mul3A_115 = arith.constant 128 : i32
    %mul3A_116 = arith.muli %add3A_24, %mul3A_115 : i32
    %eq3A_117 = arith.constant 390 : i32
    %eq3A_118 = arith.cmpi eq, %add3A_24, %eq3A_117 : i32
    %sub3A_119 = arith.constant 391 : i32
    %sub3A_120 = arith.subi %add3A_24, %sub3A_119 : i32
    %mul3A_121 = arith.constant 128 : i32
    %mul3A_122 = arith.muli %sub3A_120, %mul3A_121 : i32
    %jit3A_123 = arith.constant 49872 : i32
    %select_n3A_124 = arith.select %eq3A_118, %jit3A_123, %mul3A_122 : i32
    %select_n3A_125 = arith.select %lt3A_114, %mul3A_116, %select_n3A_124 : i32
    %lt3A_126 = arith.constant 390 : i32
    %lt3A_127 = arith.cmpi slt, %add3A_28, %lt3A_126 : i32
    %mul3A_128 = arith.constant 128 : i32
    %mul3A_129 = arith.muli %add3A_28, %mul3A_128 : i32
    %eq3A_130 = arith.constant 390 : i32
    %eq3A_131 = arith.cmpi eq, %add3A_28, %eq3A_130 : i32
    %sub3A_132 = arith.constant 391 : i32
    %sub3A_133 = arith.subi %add3A_28, %sub3A_132 : i32
    %mul3A_134 = arith.constant 128 : i32
    %mul3A_135 = arith.muli %sub3A_133, %mul3A_134 : i32
    %jit3A_136 = arith.constant 49872 : i32
    %select_n3A_137 = arith.select %eq3A_131, %jit3A_136, %mul3A_135 : i32
    %select_n3A_138 = arith.select %lt3A_127, %mul3A_129, %select_n3A_137 : i32
    %lt3A_139 = arith.constant 390 : i32
    %lt3A_140 = arith.cmpi slt, %add3A_32, %lt3A_139 : i32
    %mul3A_141 = arith.constant 128 : i32
    %mul3A_142 = arith.muli %add3A_32, %mul3A_141 : i32
    %eq3A_143 = arith.constant 390 : i32
    %eq3A_144 = arith.cmpi eq, %add3A_32, %eq3A_143 : i32
    %sub3A_145 = arith.constant 391 : i32
    %sub3A_146 = arith.subi %add3A_32, %sub3A_145 : i32
    %mul3A_147 = arith.constant 128 : i32
    %mul3A_148 = arith.muli %sub3A_146, %mul3A_147 : i32
    %jit3A_149 = arith.constant 49872 : i32
    %select_n3A_150 = arith.select %eq3A_144, %jit3A_149, %mul3A_148 : i32
    %select_n3A_151 = arith.select %lt3A_140, %mul3A_142, %select_n3A_150 : i32
    %lt3A_152 = arith.constant 390 : i32
    %lt3A_153 = arith.cmpi slt, %add3A_36, %lt3A_152 : i32
    %mul3A_154 = arith.constant 128 : i32
    %mul3A_155 = arith.muli %add3A_36, %mul3A_154 : i32
    %eq3A_156 = arith.constant 390 : i32
    %eq3A_157 = arith.cmpi eq, %add3A_36, %eq3A_156 : i32
    %sub3A_158 = arith.constant 391 : i32
    %sub3A_159 = arith.subi %add3A_36, %sub3A_158 : i32
    %mul3A_160 = arith.constant 128 : i32
    %mul3A_161 = arith.muli %sub3A_159, %mul3A_160 : i32
    %jit3A_162 = arith.constant 49872 : i32
    %select_n3A_163 = arith.select %eq3A_157, %jit3A_162, %mul3A_161 : i32
    %select_n3A_164 = arith.select %lt3A_153, %mul3A_155, %select_n3A_163 : i32
    %lt3A_165 = arith.constant 390 : i32
    %lt3A_166 = arith.cmpi slt, %add3A_40, %lt3A_165 : i32
    %mul3A_167 = arith.constant 128 : i32
    %mul3A_168 = arith.muli %add3A_40, %mul3A_167 : i32
    %eq3A_169 = arith.constant 390 : i32
    %eq3A_170 = arith.cmpi eq, %add3A_40, %eq3A_169 : i32
    %sub3A_171 = arith.constant 391 : i32
    %sub3A_172 = arith.subi %add3A_40, %sub3A_171 : i32
    %mul3A_173 = arith.constant 128 : i32
    %mul3A_174 = arith.muli %sub3A_172, %mul3A_173 : i32
    %jit3A_175 = arith.constant 49872 : i32
    %select_n3A_176 = arith.select %eq3A_170, %jit3A_175, %mul3A_174 : i32
    %select_n3A_177 = arith.select %lt3A_166, %mul3A_168, %select_n3A_176 : i32
    %lt3A_178 = arith.constant 390 : i32
    %lt3A_179 = arith.cmpi slt, %add3A_44, %lt3A_178 : i32
    %mul3A_180 = arith.constant 128 : i32
    %mul3A_181 = arith.muli %add3A_44, %mul3A_180 : i32
    %eq3A_182 = arith.constant 390 : i32
    %eq3A_183 = arith.cmpi eq, %add3A_44, %eq3A_182 : i32
    %sub3A_184 = arith.constant 391 : i32
    %sub3A_185 = arith.subi %add3A_44, %sub3A_184 : i32
    %mul3A_186 = arith.constant 128 : i32
    %mul3A_187 = arith.muli %sub3A_185, %mul3A_186 : i32
    %jit3A_188 = arith.constant 49872 : i32
    %select_n3A_189 = arith.select %eq3A_183, %jit3A_188, %mul3A_187 : i32
    %select_n3A_190 = arith.select %lt3A_179, %mul3A_181, %select_n3A_189 : i32
    %lt3A_191 = arith.constant 390 : i32
    %lt3A_192 = arith.cmpi slt, %add3A_48, %lt3A_191 : i32
    %mul3A_193 = arith.constant 128 : i32
    %mul3A_194 = arith.muli %add3A_48, %mul3A_193 : i32
    %eq3A_195 = arith.constant 390 : i32
    %eq3A_196 = arith.cmpi eq, %add3A_48, %eq3A_195 : i32
    %sub3A_197 = arith.constant 391 : i32
    %sub3A_198 = arith.subi %add3A_48, %sub3A_197 : i32
    %mul3A_199 = arith.constant 128 : i32
    %mul3A_200 = arith.muli %sub3A_198, %mul3A_199 : i32
    %jit3A_201 = arith.constant 49872 : i32
    %select_n3A_202 = arith.select %eq3A_196, %jit3A_201, %mul3A_200 : i32
    %select_n3A_203 = arith.select %lt3A_192, %mul3A_194, %select_n3A_202 : i32
    %lt3A_204 = arith.constant 390 : i32
    %lt3A_205 = arith.cmpi slt, %add3A_52, %lt3A_204 : i32
    %mul3A_206 = arith.constant 128 : i32
    %mul3A_207 = arith.muli %add3A_52, %mul3A_206 : i32
    %eq3A_208 = arith.constant 390 : i32
    %eq3A_209 = arith.cmpi eq, %add3A_52, %eq3A_208 : i32
    %sub3A_210 = arith.constant 391 : i32
    %sub3A_211 = arith.subi %add3A_52, %sub3A_210 : i32
    %mul3A_212 = arith.constant 128 : i32
    %mul3A_213 = arith.muli %sub3A_211, %mul3A_212 : i32
    %jit3A_214 = arith.constant 49872 : i32
    %select_n3A_215 = arith.select %eq3A_209, %jit3A_214, %mul3A_213 : i32
    %select_n3A_216 = arith.select %lt3A_205, %mul3A_207, %select_n3A_215 : i32
    %dma_start3A = arith.constant 0 : i32
    %dma_start3A_217 = arith.constant 0 : i32
    %dma_start3A_218 = tpu.memref_slice %arg5[%dma_start3A, %dma_start3A_217] : memref<13x128xi32, #tpu.memory_space<vmem>> -> memref<1x128xi32, #tpu.memory_space<vmem>>
    %dma_start3A_219 = tpu.memref_squeeze %dma_start3A_218 : memref<1x128xi32, #tpu.memory_space<vmem>> -> memref<128xi32, #tpu.memory_space<vmem>>
    %dma_start3A_220 = tpu.memref_slice %arg3[%select_n3A_60] : memref<50000xi32, #tpu.memory_space<hbm>> -> memref<128xi32, #tpu.memory_space<hbm>>
    %dma_start3A_221 = arith.constant 0 : i32
    %dma_start3A_222 = tpu.memref_slice %arg5[%dma_start3A, %dma_start3A_221] : memref<13x128xi32, #tpu.memory_space<vmem>> -> memref<1x128xi32, #tpu.memory_space<vmem>>
    %dma_start3A_223 = tpu.memref_squeeze %dma_start3A_222 : memref<1x128xi32, #tpu.memory_space<vmem>> -> memref<128xi32, #tpu.memory_space<vmem>>
    %dma_start3A_224 = tpu.memref_slice %arg3[%select_n3A_60] : memref<50000xi32, #tpu.memory_space<hbm>> -> memref<128xi32, #tpu.memory_space<hbm>>
    tpu.enqueue_dma source(%dma_start3A_224 : memref<128xi32, #tpu.memory_space<hbm>>) target(%dma_start3A_223 : memref<128xi32, #tpu.memory_space<vmem>>) target_semaphore(%arg13 : memref<!tpu.dma_semaphore, #tpu.memory_space<semaphore_mem>>)
    %dma_start3A_225 = arith.constant 1 : i32
    %dma_start3A_226 = arith.constant 0 : i32
    %dma_start3A_227 = tpu.memref_slice %arg5[%dma_start3A_225, %dma_start3A_226] : memref<13x128xi32, #tpu.memory_space<vmem>> -> memref<1x128xi32, #tpu.memory_space<vmem>>
    %dma_start3A_228 = tpu.memref_squeeze %dma_start3A_227 : memref<1x128xi32, #tpu.memory_space<vmem>> -> memref<128xi32, #tpu.memory_space<vmem>>
    %dma_start3A_229 = tpu.memref_slice %arg3[%select_n3A_73] : memref<50000xi32, #tpu.memory_space<hbm>> -> memref<128xi32, #tpu.memory_space<hbm>>
    %dma_start3A_230 = arith.constant 0 : i32
    %dma_start3A_231 = tpu.memref_slice %arg5[%dma_start3A_225, %dma_start3A_230] : memref<13x128xi32, #tpu.memory_space<vmem>> -> memref<1x128xi32, #tpu.memory_space<vmem>>
    %dma_start3A_232 = tpu.memref_squeeze %dma_start3A_231 : memref<1x128xi32, #tpu.memory_space<vmem>> -> memref<128xi32, #tpu.memory_space<vmem>>
    %dma_start3A_233 = tpu.memref_slice %arg3[%select_n3A_73] : memref<50000xi32, #tpu.memory_space<hbm>> -> memref<128xi32, #tpu.memory_space<hbm>>
    tpu.enqueue_dma source(%dma_start3A_233 : memref<128xi32, #tpu.memory_space<hbm>>) target(%dma_start3A_232 : memref<128xi32, #tpu.memory_space<vmem>>) target_semaphore(%arg14 : memref<!tpu.dma_semaphore, #tpu.memory_space<semaphore_mem>>)
    %dma_start3A_234 = arith.constant 2 : i32
    %dma_start3A_235 = arith.constant 0 : i32
    %dma_start3A_236 = tpu.memref_slice %arg5[%dma_start3A_234, %dma_start3A_235] : memref<13x128xi32, #tpu.memory_space<vmem>> -> memref<1x128xi32, #tpu.memory_space<vmem>>
    %dma_start3A_237 = tpu.memref_squeeze %dma_start3A_236 : memref<1x128xi32, #tpu.memory_space<vmem>> -> memref<128xi32, #tpu.memory_space<vmem>>
    %dma_start3A_238 = tpu.memref_slice %arg3[%select_n3A_86] : memref<50000xi32, #tpu.memory_space<hbm>> -> memref<128xi32, #tpu.memory_space<hbm>>
    %dma_start3A_239 = arith.constant 0 : i32
    %dma_start3A_240 = tpu.memref_slice %arg5[%dma_start3A_234, %dma_start3A_239] : memref<13x128xi32, #tpu.memory_space<vmem>> -> memref<1x128xi32, #tpu.memory_space<vmem>>
    %dma_start3A_241 = tpu.memref_squeeze %dma_start3A_240 : memref<1x128xi32, #tpu.memory_space<vmem>> -> memref<128xi32, #tpu.memory_space<vmem>>
    %dma_start3A_242 = tpu.memref_slice %arg3[%select_n3A_86] : memref<50000xi32, #tpu.memory_space<hbm>> -> memref<128xi32, #tpu.memory_space<hbm>>
    tpu.enqueue_dma source(%dma_start3A_242 : memref<128xi32, #tpu.memory_space<hbm>>) target(%dma_start3A_241 : memref<128xi32, #tpu.memory_space<vmem>>) target_semaphore(%arg15 : memref<!tpu.dma_semaphore, #tpu.memory_space<semaphore_mem>>)
    %dma_start3A_243 = arith.constant 3 : i32
    %dma_start3A_244 = arith.constant 0 : i32
    %dma_start3A_245 = tpu.memref_slice %arg5[%dma_start3A_243, %dma_start3A_244] : memref<13x128xi32, #tpu.memory_space<vmem>> -> memref<1x128xi32, #tpu.memory_space<vmem>>
    %dma_start3A_246 = tpu.memref_squeeze %dma_start3A_245 : memref<1x128xi32, #tpu.memory_space<vmem>> -> memref<128xi32, #tpu.memory_space<vmem>>
    %dma_start3A_247 = tpu.memref_slice %arg3[%select_n3A_99] : memref<50000xi32, #tpu.memory_space<hbm>> -> memref<128xi32, #tpu.memory_space<hbm>>
    %dma_start3A_248 = arith.constant 0 : i32
    %dma_start3A_249 = tpu.memref_slice %arg5[%dma_start3A_243, %dma_start3A_248] : memref<13x128xi32, #tpu.memory_space<vmem>> -> memref<1x128xi32, #tpu.memory_space<vmem>>
    %dma_start3A_250 = tpu.memref_squeeze %dma_start3A_249 : memref<1x128xi32, #tpu.memory_space<vmem>> -> memref<128xi32, #tpu.memory_space<vmem>>
    %dma_start3A_251 = tpu.memref_slice %arg3[%select_n3A_99] : memref<50000xi32, #tpu.memory_space<hbm>> -> memref<128xi32, #tpu.memory_space<hbm>>
    tpu.enqueue_dma source(%dma_start3A_251 : memref<128xi32, #tpu.memory_space<hbm>>) target(%dma_start3A_250 : memref<128xi32, #tpu.memory_space<vmem>>) target_semaphore(%arg16 : memref<!tpu.dma_semaphore, #tpu.memory_space<semaphore_mem>>)
    %dma_start3A_252 = arith.constant 4 : i32
    %dma_start3A_253 = arith.constant 0 : i32
    %dma_start3A_254 = tpu.memref_slice %arg5[%dma_start3A_252, %dma_start3A_253] : memref<13x128xi32, #tpu.memory_space<vmem>> -> memref<1x128xi32, #tpu.memory_space<vmem>>
    %dma_start3A_255 = tpu.memref_squeeze %dma_start3A_254 : memref<1x128xi32, #tpu.memory_space<vmem>> -> memref<128xi32, #tpu.memory_space<vmem>>
    %dma_start3A_256 = tpu.memref_slice %arg3[%select_n3A_112] : memref<50000xi32, #tpu.memory_space<hbm>> -> memref<128xi32, #tpu.memory_space<hbm>>
    %dma_start3A_257 = arith.constant 0 : i32
    %dma_start3A_258 = tpu.memref_slice %arg5[%dma_start3A_252, %dma_start3A_257] : memref<13x128xi32, #tpu.memory_space<vmem>> -> memref<1x128xi32, #tpu.memory_space<vmem>>
    %dma_start3A_259 = tpu.memref_squeeze %dma_start3A_258 : memref<1x128xi32, #tpu.memory_space<vmem>> -> memref<128xi32, #tpu.memory_space<vmem>>
    %dma_start3A_260 = tpu.memref_slice %arg3[%select_n3A_112] : memref<50000xi32, #tpu.memory_space<hbm>> -> memref<128xi32, #tpu.memory_space<hbm>>
    tpu.enqueue_dma source(%dma_start3A_260 : memref<128xi32, #tpu.memory_space<hbm>>) target(%dma_start3A_259 : memref<128xi32, #tpu.memory_space<vmem>>) target_semaphore(%arg17 : memref<!tpu.dma_semaphore, #tpu.memory_space<semaphore_mem>>)
    %dma_start3A_261 = arith.constant 5 : i32
    %dma_start3A_262 = arith.constant 0 : i32
    %dma_start3A_263 = tpu.memref_slice %arg5[%dma_start3A_261, %dma_start3A_262] : memref<13x128xi32, #tpu.memory_space<vmem>> -> memref<1x128xi32, #tpu.memory_space<vmem>>
    %dma_start3A_264 = tpu.memref_squeeze %dma_start3A_263 : memref<1x128xi32, #tpu.memory_space<vmem>> -> memref<128xi32, #tpu.memory_space<vmem>>
    %dma_start3A_265 = tpu.memref_slice %arg3[%select_n3A_125] : memref<50000xi32, #tpu.memory_space<hbm>> -> memref<128xi32, #tpu.memory_space<hbm>>
    %dma_start3A_266 = arith.constant 0 : i32
    %dma_start3A_267 = tpu.memref_slice %arg5[%dma_start3A_261, %dma_start3A_266] : memref<13x128xi32, #tpu.memory_space<vmem>> -> memref<1x128xi32, #tpu.memory_space<vmem>>
    %dma_start3A_268 = tpu.memref_squeeze %dma_start3A_267 : memref<1x128xi32, #tpu.memory_space<vmem>> -> memref<128xi32, #tpu.memory_space<vmem>>
    %dma_start3A_269 = tpu.memref_slice %arg3[%select_n3A_125] : memref<50000xi32, #tpu.memory_space<hbm>> -> memref<128xi32, #tpu.memory_space<hbm>>
    tpu.enqueue_dma source(%dma_start3A_269 : memref<128xi32, #tpu.memory_space<hbm>>) target(%dma_start3A_268 : memref<128xi32, #tpu.memory_space<vmem>>) target_semaphore(%arg18 : memref<!tpu.dma_semaphore, #tpu.memory_space<semaphore_mem>>)
    %dma_start3A_270 = arith.constant 6 : i32
    %dma_start3A_271 = arith.constant 0 : i32
    %dma_start3A_272 = tpu.memref_slice %arg5[%dma_start3A_270, %dma_start3A_271] : memref<13x128xi32, #tpu.memory_space<vmem>> -> memref<1x128xi32, #tpu.memory_space<vmem>>
    %dma_start3A_273 = tpu.memref_squeeze %dma_start3A_272 : memref<1x128xi32, #tpu.memory_space<vmem>> -> memref<128xi32, #tpu.memory_space<vmem>>
    %dma_start3A_274 = tpu.memref_slice %arg3[%select_n3A_138] : memref<50000xi32, #tpu.memory_space<hbm>> -> memref<128xi32, #tpu.memory_space<hbm>>
    %dma_start3A_275 = arith.constant 0 : i32
    %dma_start3A_276 = tpu.memref_slice %arg5[%dma_start3A_270, %dma_start3A_275] : memref<13x128xi32, #tpu.memory_space<vmem>> -> memref<1x128xi32, #tpu.memory_space<vmem>>
    %dma_start3A_277 = tpu.memref_squeeze %dma_start3A_276 : memref<1x128xi32, #tpu.memory_space<vmem>> -> memref<128xi32, #tpu.memory_space<vmem>>
    %dma_start3A_278 = tpu.memref_slice %arg3[%select_n3A_138] : memref<50000xi32, #tpu.memory_space<hbm>> -> memref<128xi32, #tpu.memory_space<hbm>>
    tpu.enqueue_dma source(%dma_start3A_278 : memref<128xi32, #tpu.memory_space<hbm>>) target(%dma_start3A_277 : memref<128xi32, #tpu.memory_space<vmem>>) target_semaphore(%arg19 : memref<!tpu.dma_semaphore, #tpu.memory_space<semaphore_mem>>)
    %dma_start3A_279 = arith.constant 7 : i32
    %dma_start3A_280 = arith.constant 0 : i32
    %dma_start3A_281 = tpu.memref_slice %arg5[%dma_start3A_279, %dma_start3A_280] : memref<13x128xi32, #tpu.memory_space<vmem>> -> memref<1x128xi32, #tpu.memory_space<vmem>>
    %dma_start3A_282 = tpu.memref_squeeze %dma_start3A_281 : memref<1x128xi32, #tpu.memory_space<vmem>> -> memref<128xi32, #tpu.memory_space<vmem>>
    %dma_start3A_283 = tpu.memref_slice %arg3[%select_n3A_151] : memref<50000xi32, #tpu.memory_space<hbm>> -> memref<128xi32, #tpu.memory_space<hbm>>
    %dma_start3A_284 = arith.constant 0 : i32
    %dma_start3A_285 = tpu.memref_slice %arg5[%dma_start3A_279, %dma_start3A_284] : memref<13x128xi32, #tpu.memory_space<vmem>> -> memref<1x128xi32, #tpu.memory_space<vmem>>
    %dma_start3A_286 = tpu.memref_squeeze %dma_start3A_285 : memref<1x128xi32, #tpu.memory_space<vmem>> -> memref<128xi32, #tpu.memory_space<vmem>>
    %dma_start3A_287 = tpu.memref_slice %arg3[%select_n3A_151] : memref<50000xi32, #tpu.memory_space<hbm>> -> memref<128xi32, #tpu.memory_space<hbm>>
    tpu.enqueue_dma source(%dma_start3A_287 : memref<128xi32, #tpu.memory_space<hbm>>) target(%dma_start3A_286 : memref<128xi32, #tpu.memory_space<vmem>>) target_semaphore(%arg20 : memref<!tpu.dma_semaphore, #tpu.memory_space<semaphore_mem>>)
    %dma_start3A_288 = arith.constant 8 : i32
    %dma_start3A_289 = arith.constant 0 : i32
    %dma_start3A_290 = tpu.memref_slice %arg5[%dma_start3A_288, %dma_start3A_289] : memref<13x128xi32, #tpu.memory_space<vmem>> -> memref<1x128xi32, #tpu.memory_space<vmem>>
    %dma_start3A_291 = tpu.memref_squeeze %dma_start3A_290 : memref<1x128xi32, #tpu.memory_space<vmem>> -> memref<128xi32, #tpu.memory_space<vmem>>
    %dma_start3A_292 = tpu.memref_slice %arg3[%select_n3A_164] : memref<50000xi32, #tpu.memory_space<hbm>> -> memref<128xi32, #tpu.memory_space<hbm>>
    %dma_start3A_293 = arith.constant 0 : i32
    %dma_start3A_294 = tpu.memref_slice %arg5[%dma_start3A_288, %dma_start3A_293] : memref<13x128xi32, #tpu.memory_space<vmem>> -> memref<1x128xi32, #tpu.memory_space<vmem>>
    %dma_start3A_295 = tpu.memref_squeeze %dma_start3A_294 : memref<1x128xi32, #tpu.memory_space<vmem>> -> memref<128xi32, #tpu.memory_space<vmem>>
    %dma_start3A_296 = tpu.memref_slice %arg3[%select_n3A_164] : memref<50000xi32, #tpu.memory_space<hbm>> -> memref<128xi32, #tpu.memory_space<hbm>>
    tpu.enqueue_dma source(%dma_start3A_296 : memref<128xi32, #tpu.memory_space<hbm>>) target(%dma_start3A_295 : memref<128xi32, #tpu.memory_space<vmem>>) target_semaphore(%arg21 : memref<!tpu.dma_semaphore, #tpu.memory_space<semaphore_mem>>)
    %dma_start3A_297 = arith.constant 9 : i32
    %dma_start3A_298 = arith.constant 0 : i32
    %dma_start3A_299 = tpu.memref_slice %arg5[%dma_start3A_297, %dma_start3A_298] : memref<13x128xi32, #tpu.memory_space<vmem>> -> memref<1x128xi32, #tpu.memory_space<vmem>>
    %dma_start3A_300 = tpu.memref_squeeze %dma_start3A_299 : memref<1x128xi32, #tpu.memory_space<vmem>> -> memref<128xi32, #tpu.memory_space<vmem>>
    %dma_start3A_301 = tpu.memref_slice %arg3[%select_n3A_177] : memref<50000xi32, #tpu.memory_space<hbm>> -> memref<128xi32, #tpu.memory_space<hbm>>
    %dma_start3A_302 = arith.constant 0 : i32
    %dma_start3A_303 = tpu.memref_slice %arg5[%dma_start3A_297, %dma_start3A_302] : memref<13x128xi32, #tpu.memory_space<vmem>> -> memref<1x128xi32, #tpu.memory_space<vmem>>
    %dma_start3A_304 = tpu.memref_squeeze %dma_start3A_303 : memref<1x128xi32, #tpu.memory_space<vmem>> -> memref<128xi32, #tpu.memory_space<vmem>>
    %dma_start3A_305 = tpu.memref_slice %arg3[%select_n3A_177] : memref<50000xi32, #tpu.memory_space<hbm>> -> memref<128xi32, #tpu.memory_space<hbm>>
    tpu.enqueue_dma source(%dma_start3A_305 : memref<128xi32, #tpu.memory_space<hbm>>) target(%dma_start3A_304 : memref<128xi32, #tpu.memory_space<vmem>>) target_semaphore(%arg22 : memref<!tpu.dma_semaphore, #tpu.memory_space<semaphore_mem>>)
    %dma_start3A_306 = arith.constant 10 : i32
    %dma_start3A_307 = arith.constant 0 : i32
    %dma_start3A_308 = tpu.memref_slice %arg5[%dma_start3A_306, %dma_start3A_307] : memref<13x128xi32, #tpu.memory_space<vmem>> -> memref<1x128xi32, #tpu.memory_space<vmem>>
    %dma_start3A_309 = tpu.memref_squeeze %dma_start3A_308 : memref<1x128xi32, #tpu.memory_space<vmem>> -> memref<128xi32, #tpu.memory_space<vmem>>
    %dma_start3A_310 = tpu.memref_slice %arg3[%select_n3A_190] : memref<50000xi32, #tpu.memory_space<hbm>> -> memref<128xi32, #tpu.memory_space<hbm>>
    %dma_start3A_311 = arith.constant 0 : i32
    %dma_start3A_312 = tpu.memref_slice %arg5[%dma_start3A_306, %dma_start3A_311] : memref<13x128xi32, #tpu.memory_space<vmem>> -> memref<1x128xi32, #tpu.memory_space<vmem>>
    %dma_start3A_313 = tpu.memref_squeeze %dma_start3A_312 : memref<1x128xi32, #tpu.memory_space<vmem>> -> memref<128xi32, #tpu.memory_space<vmem>>
    %dma_start3A_314 = tpu.memref_slice %arg3[%select_n3A_190] : memref<50000xi32, #tpu.memory_space<hbm>> -> memref<128xi32, #tpu.memory_space<hbm>>
    tpu.enqueue_dma source(%dma_start3A_314 : memref<128xi32, #tpu.memory_space<hbm>>) target(%dma_start3A_313 : memref<128xi32, #tpu.memory_space<vmem>>) target_semaphore(%arg23 : memref<!tpu.dma_semaphore, #tpu.memory_space<semaphore_mem>>)
    %dma_start3A_315 = arith.constant 11 : i32
    %dma_start3A_316 = arith.constant 0 : i32
    %dma_start3A_317 = tpu.memref_slice %arg5[%dma_start3A_315, %dma_start3A_316] : memref<13x128xi32, #tpu.memory_space<vmem>> -> memref<1x128xi32, #tpu.memory_space<vmem>>
    %dma_start3A_318 = tpu.memref_squeeze %dma_start3A_317 : memref<1x128xi32, #tpu.memory_space<vmem>> -> memref<128xi32, #tpu.memory_space<vmem>>
    %dma_start3A_319 = tpu.memref_slice %arg3[%select_n3A_203] : memref<50000xi32, #tpu.memory_space<hbm>> -> memref<128xi32, #tpu.memory_space<hbm>>
    %dma_start3A_320 = arith.constant 0 : i32
    %dma_start3A_321 = tpu.memref_slice %arg5[%dma_start3A_315, %dma_start3A_320] : memref<13x128xi32, #tpu.memory_space<vmem>> -> memref<1x128xi32, #tpu.memory_space<vmem>>
    %dma_start3A_322 = tpu.memref_squeeze %dma_start3A_321 : memref<1x128xi32, #tpu.memory_space<vmem>> -> memref<128xi32, #tpu.memory_space<vmem>>
    %dma_start3A_323 = tpu.memref_slice %arg3[%select_n3A_203] : memref<50000xi32, #tpu.memory_space<hbm>> -> memref<128xi32, #tpu.memory_space<hbm>>
    tpu.enqueue_dma source(%dma_start3A_323 : memref<128xi32, #tpu.memory_space<hbm>>) target(%dma_start3A_322 : memref<128xi32, #tpu.memory_space<vmem>>) target_semaphore(%arg24 : memref<!tpu.dma_semaphore, #tpu.memory_space<semaphore_mem>>)
    %dma_start3A_324 = arith.constant 12 : i32
    %dma_start3A_325 = arith.constant 0 : i32
    %dma_start3A_326 = tpu.memref_slice %arg5[%dma_start3A_324, %dma_start3A_325] : memref<13x128xi32, #tpu.memory_space<vmem>> -> memref<1x128xi32, #tpu.memory_space<vmem>>
    %dma_start3A_327 = tpu.memref_squeeze %dma_start3A_326 : memref<1x128xi32, #tpu.memory_space<vmem>> -> memref<128xi32, #tpu.memory_space<vmem>>
    %dma_start3A_328 = tpu.memref_slice %arg3[%select_n3A_216] : memref<50000xi32, #tpu.memory_space<hbm>> -> memref<128xi32, #tpu.memory_space<hbm>>
    %dma_start3A_329 = arith.constant 0 : i32
    %dma_start3A_330 = tpu.memref_slice %arg5[%dma_start3A_324, %dma_start3A_329] : memref<13x128xi32, #tpu.memory_space<vmem>> -> memref<1x128xi32, #tpu.memory_space<vmem>>
    %dma_start3A_331 = tpu.memref_squeeze %dma_start3A_330 : memref<1x128xi32, #tpu.memory_space<vmem>> -> memref<128xi32, #tpu.memory_space<vmem>>
    %dma_start3A_332 = tpu.memref_slice %arg3[%select_n3A_216] : memref<50000xi32, #tpu.memory_space<hbm>> -> memref<128xi32, #tpu.memory_space<hbm>>
    tpu.enqueue_dma source(%dma_start3A_332 : memref<128xi32, #tpu.memory_space<hbm>>) target(%dma_start3A_331 : memref<128xi32, #tpu.memory_space<vmem>>) target_semaphore(%arg25 : memref<!tpu.dma_semaphore, #tpu.memory_space<semaphore_mem>>)
    %dma_wait3A = arith.constant 0 : i32
    %dma_wait3A_333 = arith.constant 0 : i32
    %dma_wait3A_334 = tpu.memref_slice %arg5[%dma_wait3A, %dma_wait3A_333] : memref<13x128xi32, #tpu.memory_space<vmem>> -> memref<1x128xi32, #tpu.memory_space<vmem>>
    %dma_wait3A_335 = tpu.memref_squeeze %dma_wait3A_334 : memref<1x128xi32, #tpu.memory_space<vmem>> -> memref<128xi32, #tpu.memory_space<vmem>>
    %dma_wait3A_336 = tpu.memref_slice %arg3[%select_n3A_60] : memref<50000xi32, #tpu.memory_space<hbm>> -> memref<128xi32, #tpu.memory_space<hbm>>
    %dma_wait3A_337 = arith.constant 0 : i32
    %dma_wait3A_338 = tpu.memref_slice %arg5[%dma_wait3A, %dma_wait3A_337] : memref<13x128xi32, #tpu.memory_space<vmem>> -> memref<1x128xi32, #tpu.memory_space<vmem>>
    %dma_wait3A_339 = tpu.memref_squeeze %dma_wait3A_338 : memref<1x128xi32, #tpu.memory_space<vmem>> -> memref<128xi32, #tpu.memory_space<vmem>>
    %dma_wait3A_340 = tpu.memref_slice %arg3[%select_n3A_60] : memref<50000xi32, #tpu.memory_space<hbm>> -> memref<128xi32, #tpu.memory_space<hbm>>
    tpu.wait_dma2 semaphore(%arg13 : memref<!tpu.dma_semaphore, #tpu.memory_space<semaphore_mem>>) src(%dma_wait3A_340 : memref<128xi32, #tpu.memory_space<hbm>>) dst(%dma_wait3A_339 : memref<128xi32, #tpu.memory_space<vmem>>)
    %lt3A_341 = arith.constant 391 : i32
    %lt3A_342 = arith.cmpi slt, %add3A_4, %lt3A_341 : i32
    %convert_element_type3A = arith.extui %lt3A_342 : i1 to i32
    %cond3A = arith.constant 0 : i32
    %cond3A_343 = arith.cmpi ne, %convert_element_type3A, %cond3A : i32
    scf.if %cond3A_343 {
      %dma_start3A_717 = arith.constant 0 : i32
      %dma_start3A_718 = arith.constant 0 : i32
      %dma_start3A_719 = tpu.memref_slice %arg5[%dma_start3A_717, %dma_start3A_718] : memref<13x128xi32, #tpu.memory_space<vmem>> -> memref<1x128xi32, #tpu.memory_space<vmem>>
      %dma_start3A_720 = tpu.memref_squeeze %dma_start3A_719 : memref<1x128xi32, #tpu.memory_space<vmem>> -> memref<128xi32, #tpu.memory_space<vmem>>
      %dma_start3A_721 = arith.constant 0 : i32
      %dma_start3A_722 = arith.constant 0 : i32
      %dma_start3A_723 = tpu.memref_slice %arg2[%dma_start3A_721, %dma_start3A_722] : memref<100000x128xf32, #tpu.memory_space<hbm>> -> memref<100000x128xf32, #tpu.memory_space<hbm>>
      tpu.enqueue_indirect_dma source(%dma_start3A_723 : memref<100000x128xf32, #tpu.memory_space<hbm>>) target(%arg6 : memref<128x128xf32, #tpu.memory_space<vmem>>) offsets(%dma_start3A_720 : memref<128xi32, #tpu.memory_space<vmem>>) semaphore(%arg26 : memref<!tpu.dma_semaphore, #tpu.memory_space<semaphore_mem>>)
    } else {
    }
    %dma_wait3A_344 = arith.constant 1 : i32
    %dma_wait3A_345 = arith.constant 0 : i32
    %dma_wait3A_346 = tpu.memref_slice %arg5[%dma_wait3A_344, %dma_wait3A_345] : memref<13x128xi32, #tpu.memory_space<vmem>> -> memref<1x128xi32, #tpu.memory_space<vmem>>
    %dma_wait3A_347 = tpu.memref_squeeze %dma_wait3A_346 : memref<1x128xi32, #tpu.memory_space<vmem>> -> memref<128xi32, #tpu.memory_space<vmem>>
    %dma_wait3A_348 = tpu.memref_slice %arg3[%select_n3A_73] : memref<50000xi32, #tpu.memory_space<hbm>> -> memref<128xi32, #tpu.memory_space<hbm>>
    %dma_wait3A_349 = arith.constant 0 : i32
    %dma_wait3A_350 = tpu.memref_slice %arg5[%dma_wait3A_344, %dma_wait3A_349] : memref<13x128xi32, #tpu.memory_space<vmem>> -> memref<1x128xi32, #tpu.memory_space<vmem>>
    %dma_wait3A_351 = tpu.memref_squeeze %dma_wait3A_350 : memref<1x128xi32, #tpu.memory_space<vmem>> -> memref<128xi32, #tpu.memory_space<vmem>>
    %dma_wait3A_352 = tpu.memref_slice %arg3[%select_n3A_73] : memref<50000xi32, #tpu.memory_space<hbm>> -> memref<128xi32, #tpu.memory_space<hbm>>
    tpu.wait_dma2 semaphore(%arg14 : memref<!tpu.dma_semaphore, #tpu.memory_space<semaphore_mem>>) src(%dma_wait3A_352 : memref<128xi32, #tpu.memory_space<hbm>>) dst(%dma_wait3A_351 : memref<128xi32, #tpu.memory_space<vmem>>)
    %lt3A_353 = arith.constant 391 : i32
    %lt3A_354 = arith.cmpi slt, %add3A_8, %lt3A_353 : i32
    %convert_element_type3A_355 = arith.extui %lt3A_354 : i1 to i32
    %cond3A_356 = arith.constant 0 : i32
    %cond3A_357 = arith.cmpi ne, %convert_element_type3A_355, %cond3A_356 : i32
    scf.if %cond3A_357 {
      %dma_start3A_717 = arith.constant 1 : i32
      %dma_start3A_718 = arith.constant 0 : i32
      %dma_start3A_719 = tpu.memref_slice %arg5[%dma_start3A_717, %dma_start3A_718] : memref<13x128xi32, #tpu.memory_space<vmem>> -> memref<1x128xi32, #tpu.memory_space<vmem>>
      %dma_start3A_720 = tpu.memref_squeeze %dma_start3A_719 : memref<1x128xi32, #tpu.memory_space<vmem>> -> memref<128xi32, #tpu.memory_space<vmem>>
      %dma_start3A_721 = arith.constant 0 : i32
      %dma_start3A_722 = arith.constant 0 : i32
      %dma_start3A_723 = tpu.memref_slice %arg2[%dma_start3A_721, %dma_start3A_722] : memref<100000x128xf32, #tpu.memory_space<hbm>> -> memref<100000x128xf32, #tpu.memory_space<hbm>>
      tpu.enqueue_indirect_dma source(%dma_start3A_723 : memref<100000x128xf32, #tpu.memory_space<hbm>>) target(%arg7 : memref<128x128xf32, #tpu.memory_space<vmem>>) offsets(%dma_start3A_720 : memref<128xi32, #tpu.memory_space<vmem>>) semaphore(%arg27 : memref<!tpu.dma_semaphore, #tpu.memory_space<semaphore_mem>>)
    } else {
    }
    %dma_wait3A_358 = arith.constant 2 : i32
    %dma_wait3A_359 = arith.constant 0 : i32
    %dma_wait3A_360 = tpu.memref_slice %arg5[%dma_wait3A_358, %dma_wait3A_359] : memref<13x128xi32, #tpu.memory_space<vmem>> -> memref<1x128xi32, #tpu.memory_space<vmem>>
    %dma_wait3A_361 = tpu.memref_squeeze %dma_wait3A_360 : memref<1x128xi32, #tpu.memory_space<vmem>> -> memref<128xi32, #tpu.memory_space<vmem>>
    %dma_wait3A_362 = tpu.memref_slice %arg3[%select_n3A_86] : memref<50000xi32, #tpu.memory_space<hbm>> -> memref<128xi32, #tpu.memory_space<hbm>>
    %dma_wait3A_363 = arith.constant 0 : i32
    %dma_wait3A_364 = tpu.memref_slice %arg5[%dma_wait3A_358, %dma_wait3A_363] : memref<13x128xi32, #tpu.memory_space<vmem>> -> memref<1x128xi32, #tpu.memory_space<vmem>>
    %dma_wait3A_365 = tpu.memref_squeeze %dma_wait3A_364 : memref<1x128xi32, #tpu.memory_space<vmem>> -> memref<128xi32, #tpu.memory_space<vmem>>
    %dma_wait3A_366 = tpu.memref_slice %arg3[%select_n3A_86] : memref<50000xi32, #tpu.memory_space<hbm>> -> memref<128xi32, #tpu.memory_space<hbm>>
    tpu.wait_dma2 semaphore(%arg15 : memref<!tpu.dma_semaphore, #tpu.memory_space<semaphore_mem>>) src(%dma_wait3A_366 : memref<128xi32, #tpu.memory_space<hbm>>) dst(%dma_wait3A_365 : memref<128xi32, #tpu.memory_space<vmem>>)
    %lt3A_367 = arith.constant 391 : i32
    %lt3A_368 = arith.cmpi slt, %add3A_12, %lt3A_367 : i32
    %convert_element_type3A_369 = arith.extui %lt3A_368 : i1 to i32
    %cond3A_370 = arith.constant 0 : i32
    %cond3A_371 = arith.cmpi ne, %convert_element_type3A_369, %cond3A_370 : i32
    scf.if %cond3A_371 {
      %dma_start3A_717 = arith.constant 2 : i32
      %dma_start3A_718 = arith.constant 0 : i32
      %dma_start3A_719 = tpu.memref_slice %arg5[%dma_start3A_717, %dma_start3A_718] : memref<13x128xi32, #tpu.memory_space<vmem>> -> memref<1x128xi32, #tpu.memory_space<vmem>>
      %dma_start3A_720 = tpu.memref_squeeze %dma_start3A_719 : memref<1x128xi32, #tpu.memory_space<vmem>> -> memref<128xi32, #tpu.memory_space<vmem>>
      %dma_start3A_721 = arith.constant 0 : i32
      %dma_start3A_722 = arith.constant 0 : i32
      %dma_start3A_723 = tpu.memref_slice %arg2[%dma_start3A_721, %dma_start3A_722] : memref<100000x128xf32, #tpu.memory_space<hbm>> -> memref<100000x128xf32, #tpu.memory_space<hbm>>
      tpu.enqueue_indirect_dma source(%dma_start3A_723 : memref<100000x128xf32, #tpu.memory_space<hbm>>) target(%arg8 : memref<128x128xf32, #tpu.memory_space<vmem>>) offsets(%dma_start3A_720 : memref<128xi32, #tpu.memory_space<vmem>>) semaphore(%arg28 : memref<!tpu.dma_semaphore, #tpu.memory_space<semaphore_mem>>)
    } else {
    }
    %dma_wait3A_372 = arith.constant 3 : i32
    %dma_wait3A_373 = arith.constant 0 : i32
    %dma_wait3A_374 = tpu.memref_slice %arg5[%dma_wait3A_372, %dma_wait3A_373] : memref<13x128xi32, #tpu.memory_space<vmem>> -> memref<1x128xi32, #tpu.memory_space<vmem>>
    %dma_wait3A_375 = tpu.memref_squeeze %dma_wait3A_374 : memref<1x128xi32, #tpu.memory_space<vmem>> -> memref<128xi32, #tpu.memory_space<vmem>>
    %dma_wait3A_376 = tpu.memref_slice %arg3[%select_n3A_99] : memref<50000xi32, #tpu.memory_space<hbm>> -> memref<128xi32, #tpu.memory_space<hbm>>
    %dma_wait3A_377 = arith.constant 0 : i32
    %dma_wait3A_378 = tpu.memref_slice %arg5[%dma_wait3A_372, %dma_wait3A_377] : memref<13x128xi32, #tpu.memory_space<vmem>> -> memref<1x128xi32, #tpu.memory_space<vmem>>
    %dma_wait3A_379 = tpu.memref_squeeze %dma_wait3A_378 : memref<1x128xi32, #tpu.memory_space<vmem>> -> memref<128xi32, #tpu.memory_space<vmem>>
    %dma_wait3A_380 = tpu.memref_slice %arg3[%select_n3A_99] : memref<50000xi32, #tpu.memory_space<hbm>> -> memref<128xi32, #tpu.memory_space<hbm>>
    tpu.wait_dma2 semaphore(%arg16 : memref<!tpu.dma_semaphore, #tpu.memory_space<semaphore_mem>>) src(%dma_wait3A_380 : memref<128xi32, #tpu.memory_space<hbm>>) dst(%dma_wait3A_379 : memref<128xi32, #tpu.memory_space<vmem>>)
    %lt3A_381 = arith.constant 391 : i32
    %lt3A_382 = arith.cmpi slt, %add3A_16, %lt3A_381 : i32
    %convert_element_type3A_383 = arith.extui %lt3A_382 : i1 to i32
    %cond3A_384 = arith.constant 0 : i32
    %cond3A_385 = arith.cmpi ne, %convert_element_type3A_383, %cond3A_384 : i32
    scf.if %cond3A_385 {
      %dma_start3A_717 = arith.constant 3 : i32
      %dma_start3A_718 = arith.constant 0 : i32
      %dma_start3A_719 = tpu.memref_slice %arg5[%dma_start3A_717, %dma_start3A_718] : memref<13x128xi32, #tpu.memory_space<vmem>> -> memref<1x128xi32, #tpu.memory_space<vmem>>
      %dma_start3A_720 = tpu.memref_squeeze %dma_start3A_719 : memref<1x128xi32, #tpu.memory_space<vmem>> -> memref<128xi32, #tpu.memory_space<vmem>>
      %dma_start3A_721 = arith.constant 0 : i32
      %dma_start3A_722 = arith.constant 0 : i32
      %dma_start3A_723 = tpu.memref_slice %arg2[%dma_start3A_721, %dma_start3A_722] : memref<100000x128xf32, #tpu.memory_space<hbm>> -> memref<100000x128xf32, #tpu.memory_space<hbm>>
      tpu.enqueue_indirect_dma source(%dma_start3A_723 : memref<100000x128xf32, #tpu.memory_space<hbm>>) target(%arg9 : memref<128x128xf32, #tpu.memory_space<vmem>>) offsets(%dma_start3A_720 : memref<128xi32, #tpu.memory_space<vmem>>) semaphore(%arg29 : memref<!tpu.dma_semaphore, #tpu.memory_space<semaphore_mem>>)
    } else {
    }
    %dma_wait3A_386 = arith.constant 4 : i32
    %dma_wait3A_387 = arith.constant 0 : i32
    %dma_wait3A_388 = tpu.memref_slice %arg5[%dma_wait3A_386, %dma_wait3A_387] : memref<13x128xi32, #tpu.memory_space<vmem>> -> memref<1x128xi32, #tpu.memory_space<vmem>>
    %dma_wait3A_389 = tpu.memref_squeeze %dma_wait3A_388 : memref<1x128xi32, #tpu.memory_space<vmem>> -> memref<128xi32, #tpu.memory_space<vmem>>
    %dma_wait3A_390 = tpu.memref_slice %arg3[%select_n3A_112] : memref<50000xi32, #tpu.memory_space<hbm>> -> memref<128xi32, #tpu.memory_space<hbm>>
    %dma_wait3A_391 = arith.constant 0 : i32
    %dma_wait3A_392 = tpu.memref_slice %arg5[%dma_wait3A_386, %dma_wait3A_391] : memref<13x128xi32, #tpu.memory_space<vmem>> -> memref<1x128xi32, #tpu.memory_space<vmem>>
    %dma_wait3A_393 = tpu.memref_squeeze %dma_wait3A_392 : memref<1x128xi32, #tpu.memory_space<vmem>> -> memref<128xi32, #tpu.memory_space<vmem>>
    %dma_wait3A_394 = tpu.memref_slice %arg3[%select_n3A_112] : memref<50000xi32, #tpu.memory_space<hbm>> -> memref<128xi32, #tpu.memory_space<hbm>>
    tpu.wait_dma2 semaphore(%arg17 : memref<!tpu.dma_semaphore, #tpu.memory_space<semaphore_mem>>) src(%dma_wait3A_394 : memref<128xi32, #tpu.memory_space<hbm>>) dst(%dma_wait3A_393 : memref<128xi32, #tpu.memory_space<vmem>>)
    %lt3A_395 = arith.constant 391 : i32
    %lt3A_396 = arith.cmpi slt, %add3A_20, %lt3A_395 : i32
    %convert_element_type3A_397 = arith.extui %lt3A_396 : i1 to i32
    %cond3A_398 = arith.constant 0 : i32
    %cond3A_399 = arith.cmpi ne, %convert_element_type3A_397, %cond3A_398 : i32
    scf.if %cond3A_399 {
      %dma_start3A_717 = arith.constant 4 : i32
      %dma_start3A_718 = arith.constant 0 : i32
      %dma_start3A_719 = tpu.memref_slice %arg5[%dma_start3A_717, %dma_start3A_718] : memref<13x128xi32, #tpu.memory_space<vmem>> -> memref<1x128xi32, #tpu.memory_space<vmem>>
      %dma_start3A_720 = tpu.memref_squeeze %dma_start3A_719 : memref<1x128xi32, #tpu.memory_space<vmem>> -> memref<128xi32, #tpu.memory_space<vmem>>
      %dma_start3A_721 = arith.constant 0 : i32
      %dma_start3A_722 = arith.constant 0 : i32
      %dma_start3A_723 = tpu.memref_slice %arg2[%dma_start3A_721, %dma_start3A_722] : memref<100000x128xf32, #tpu.memory_space<hbm>> -> memref<100000x128xf32, #tpu.memory_space<hbm>>
      tpu.enqueue_indirect_dma source(%dma_start3A_723 : memref<100000x128xf32, #tpu.memory_space<hbm>>) target(%arg10 : memref<128x128xf32, #tpu.memory_space<vmem>>) offsets(%dma_start3A_720 : memref<128xi32, #tpu.memory_space<vmem>>) semaphore(%arg30 : memref<!tpu.dma_semaphore, #tpu.memory_space<semaphore_mem>>)
    } else {
    }
    %dma_wait3A_400 = arith.constant 5 : i32
    %dma_wait3A_401 = arith.constant 0 : i32
    %dma_wait3A_402 = tpu.memref_slice %arg5[%dma_wait3A_400, %dma_wait3A_401] : memref<13x128xi32, #tpu.memory_space<vmem>> -> memref<1x128xi32, #tpu.memory_space<vmem>>
    %dma_wait3A_403 = tpu.memref_squeeze %dma_wait3A_402 : memref<1x128xi32, #tpu.memory_space<vmem>> -> memref<128xi32, #tpu.memory_space<vmem>>
    %dma_wait3A_404 = tpu.memref_slice %arg3[%select_n3A_125] : memref<50000xi32, #tpu.memory_space<hbm>> -> memref<128xi32, #tpu.memory_space<hbm>>
    %dma_wait3A_405 = arith.constant 0 : i32
    %dma_wait3A_406 = tpu.memref_slice %arg5[%dma_wait3A_400, %dma_wait3A_405] : memref<13x128xi32, #tpu.memory_space<vmem>> -> memref<1x128xi32, #tpu.memory_space<vmem>>
    %dma_wait3A_407 = tpu.memref_squeeze %dma_wait3A_406 : memref<1x128xi32, #tpu.memory_space<vmem>> -> memref<128xi32, #tpu.memory_space<vmem>>
    %dma_wait3A_408 = tpu.memref_slice %arg3[%select_n3A_125] : memref<50000xi32, #tpu.memory_space<hbm>> -> memref<128xi32, #tpu.memory_space<hbm>>
    tpu.wait_dma2 semaphore(%arg18 : memref<!tpu.dma_semaphore, #tpu.memory_space<semaphore_mem>>) src(%dma_wait3A_408 : memref<128xi32, #tpu.memory_space<hbm>>) dst(%dma_wait3A_407 : memref<128xi32, #tpu.memory_space<vmem>>)
    %lt3A_409 = arith.constant 391 : i32
    %lt3A_410 = arith.cmpi slt, %add3A_24, %lt3A_409 : i32
    %convert_element_type3A_411 = arith.extui %lt3A_410 : i1 to i32
    %cond3A_412 = arith.constant 0 : i32
    %cond3A_413 = arith.cmpi ne, %convert_element_type3A_411, %cond3A_412 : i32
    scf.if %cond3A_413 {
      %dma_start3A_717 = arith.constant 5 : i32
      %dma_start3A_718 = arith.constant 0 : i32
      %dma_start3A_719 = tpu.memref_slice %arg5[%dma_start3A_717, %dma_start3A_718] : memref<13x128xi32, #tpu.memory_space<vmem>> -> memref<1x128xi32, #tpu.memory_space<vmem>>
      %dma_start3A_720 = tpu.memref_squeeze %dma_start3A_719 : memref<1x128xi32, #tpu.memory_space<vmem>> -> memref<128xi32, #tpu.memory_space<vmem>>
      %dma_start3A_721 = arith.constant 0 : i32
      %dma_start3A_722 = arith.constant 0 : i32
      %dma_start3A_723 = tpu.memref_slice %arg2[%dma_start3A_721, %dma_start3A_722] : memref<100000x128xf32, #tpu.memory_space<hbm>> -> memref<100000x128xf32, #tpu.memory_space<hbm>>
      tpu.enqueue_indirect_dma source(%dma_start3A_723 : memref<100000x128xf32, #tpu.memory_space<hbm>>) target(%arg11 : memref<128x128xf32, #tpu.memory_space<vmem>>) offsets(%dma_start3A_720 : memref<128xi32, #tpu.memory_space<vmem>>) semaphore(%arg31 : memref<!tpu.dma_semaphore, #tpu.memory_space<semaphore_mem>>)
    } else {
    }
    %dma_wait3A_414 = arith.constant 6 : i32
    %dma_wait3A_415 = arith.constant 0 : i32
    %dma_wait3A_416 = tpu.memref_slice %arg5[%dma_wait3A_414, %dma_wait3A_415] : memref<13x128xi32, #tpu.memory_space<vmem>> -> memref<1x128xi32, #tpu.memory_space<vmem>>
    %dma_wait3A_417 = tpu.memref_squeeze %dma_wait3A_416 : memref<1x128xi32, #tpu.memory_space<vmem>> -> memref<128xi32, #tpu.memory_space<vmem>>
    %dma_wait3A_418 = tpu.memref_slice %arg3[%select_n3A_138] : memref<50000xi32, #tpu.memory_space<hbm>> -> memref<128xi32, #tpu.memory_space<hbm>>
    %dma_wait3A_419 = arith.constant 0 : i32
    %dma_wait3A_420 = tpu.memref_slice %arg5[%dma_wait3A_414, %dma_wait3A_419] : memref<13x128xi32, #tpu.memory_space<vmem>> -> memref<1x128xi32, #tpu.memory_space<vmem>>
    %dma_wait3A_421 = tpu.memref_squeeze %dma_wait3A_420 : memref<1x128xi32, #tpu.memory_space<vmem>> -> memref<128xi32, #tpu.memory_space<vmem>>
    %dma_wait3A_422 = tpu.memref_slice %arg3[%select_n3A_138] : memref<50000xi32, #tpu.memory_space<hbm>> -> memref<128xi32, #tpu.memory_space<hbm>>
    tpu.wait_dma2 semaphore(%arg19 : memref<!tpu.dma_semaphore, #tpu.memory_space<semaphore_mem>>) src(%dma_wait3A_422 : memref<128xi32, #tpu.memory_space<hbm>>) dst(%dma_wait3A_421 : memref<128xi32, #tpu.memory_space<vmem>>)
    %lt3A_423 = arith.constant 391 : i32
    %lt3A_424 = arith.cmpi slt, %add3A_28, %lt3A_423 : i32
    %convert_element_type3A_425 = arith.extui %lt3A_424 : i1 to i32
    %cond3A_426 = arith.constant 0 : i32
    %cond3A_427 = arith.cmpi ne, %convert_element_type3A_425, %cond3A_426 : i32
    scf.if %cond3A_427 {
      %dma_start3A_717 = arith.constant 6 : i32
      %dma_start3A_718 = arith.constant 0 : i32
      %dma_start3A_719 = tpu.memref_slice %arg5[%dma_start3A_717, %dma_start3A_718] : memref<13x128xi32, #tpu.memory_space<vmem>> -> memref<1x128xi32, #tpu.memory_space<vmem>>
      %dma_start3A_720 = tpu.memref_squeeze %dma_start3A_719 : memref<1x128xi32, #tpu.memory_space<vmem>> -> memref<128xi32, #tpu.memory_space<vmem>>
      %dma_start3A_721 = arith.constant 0 : i32
      %dma_start3A_722 = arith.constant 0 : i32
      %dma_start3A_723 = tpu.memref_slice %arg2[%dma_start3A_721, %dma_start3A_722] : memref<100000x128xf32, #tpu.memory_space<hbm>> -> memref<100000x128xf32, #tpu.memory_space<hbm>>
      tpu.enqueue_indirect_dma source(%dma_start3A_723 : memref<100000x128xf32, #tpu.memory_space<hbm>>) target(%arg12 : memref<128x128xf32, #tpu.memory_space<vmem>>) offsets(%dma_start3A_720 : memref<128xi32, #tpu.memory_space<vmem>>) semaphore(%arg32 : memref<!tpu.dma_semaphore, #tpu.memory_space<semaphore_mem>>)
    } else {
    }
    %lt3A_428 = arith.constant 391 : i32
    %lt3A_429 = arith.cmpi slt, %add3A_4, %lt3A_428 : i32
    %convert_element_type3A_430 = arith.extui %lt3A_429 : i1 to i32
    %cond3A_431 = arith.constant 0 : i32
    %cond3A_432 = arith.cmpi ne, %convert_element_type3A_430, %cond3A_431 : i32
    scf.if %cond3A_432 {
      %dma_wait3A_717 = arith.constant 0 : i32
      %dma_wait3A_718 = arith.constant 0 : i32
      %dma_wait3A_719 = tpu.memref_slice %arg5[%dma_wait3A_717, %dma_wait3A_718] : memref<13x128xi32, #tpu.memory_space<vmem>> -> memref<1x128xi32, #tpu.memory_space<vmem>>
      %dma_wait3A_720 = tpu.memref_squeeze %dma_wait3A_719 : memref<1x128xi32, #tpu.memory_space<vmem>> -> memref<128xi32, #tpu.memory_space<vmem>>
      %dma_wait3A_721 = arith.constant 0 : i32
      %dma_wait3A_722 = arith.constant 0 : i32
      %dma_wait3A_723 = tpu.memref_slice %arg2[%dma_wait3A_721, %dma_wait3A_722] : memref<100000x128xf32, #tpu.memory_space<hbm>> -> memref<100000x128xf32, #tpu.memory_space<hbm>>
      tpu.wait_indirect_dma semaphore(%arg26 : memref<!tpu.dma_semaphore, #tpu.memory_space<semaphore_mem>>) src(%dma_wait3A_723 : memref<100000x128xf32, #tpu.memory_space<hbm>>) dst(%arg6 : memref<128x128xf32, #tpu.memory_space<vmem>>)
    } else {
    }
    %lt3A_433 = arith.constant 390 : i32
    %lt3A_434 = arith.cmpi slt, %add3A_4, %lt3A_433 : i32
    %convert_element_type3A_435 = arith.extui %lt3A_434 : i1 to i32
    %cond3A_436 = arith.constant 0 : i32
    %cond3A_437 = arith.cmpi ne, %convert_element_type3A_435, %cond3A_436 : i32
    scf.if %cond3A_437 {
      %dma_start3A_717 = arith.constant 0 : i32
      %dma_start3A_718 = tpu.memref_slice %arg4[%select_n3A_60, %dma_start3A_717] : memref<50000x128xf32, #tpu.memory_space<hbm>> -> memref<128x128xf32, #tpu.memory_space<hbm>>
      %dma_start3A_719 = arith.constant 0 : i32
      %dma_start3A_720 = tpu.memref_slice %arg4[%select_n3A_60, %dma_start3A_719] : memref<50000x128xf32, #tpu.memory_space<hbm>> -> memref<128x128xf32, #tpu.memory_space<hbm>>
      tpu.enqueue_dma source(%arg6 : memref<128x128xf32, #tpu.memory_space<vmem>>) target(%dma_start3A_720 : memref<128x128xf32, #tpu.memory_space<hbm>>) target_semaphore(%arg33 : memref<!tpu.dma_semaphore, #tpu.memory_space<semaphore_mem>>)
    } else {
    }
    %eq3A_438 = arith.constant 390 : i32
    %eq3A_439 = arith.cmpi eq, %add3A_4, %eq3A_438 : i32
    %convert_element_type3A_440 = arith.extui %eq3A_439 : i1 to i32
    %cond3A_441 = arith.constant 0 : i32
    %cond3A_442 = arith.cmpi ne, %convert_element_type3A_440, %cond3A_441 : i32
    scf.if %cond3A_442 {
      %dma_start3A_717 = arith.constant 48 : i32
      %dma_start3A_718 = arith.constant 0 : i32
      %dma_start3A_719 = tpu.memref_slice %arg6[%dma_start3A_717, %dma_start3A_718] : memref<128x128xf32, #tpu.memory_space<vmem>> -> memref<80x128xf32, #tpu.memory_space<vmem>>
      %dma_start3A_720 = arith.constant 49920 : i32
      %dma_start3A_721 = arith.constant 0 : i32
      %dma_start3A_722 = tpu.memref_slice %arg4[%dma_start3A_720, %dma_start3A_721] : memref<50000x128xf32, #tpu.memory_space<hbm>> -> memref<80x128xf32, #tpu.memory_space<hbm>>
      %dma_start3A_723 = arith.constant 49920 : i32
      %dma_start3A_724 = arith.constant 0 : i32
      %dma_start3A_725 = tpu.memref_slice %arg4[%dma_start3A_723, %dma_start3A_724] : memref<50000x128xf32, #tpu.memory_space<hbm>> -> memref<80x128xf32, #tpu.memory_space<hbm>>
      %dma_start3A_726 = arith.constant 48 : i32
      %dma_start3A_727 = arith.constant 0 : i32
      %dma_start3A_728 = tpu.memref_slice %arg6[%dma_start3A_726, %dma_start3A_727] : memref<128x128xf32, #tpu.memory_space<vmem>> -> memref<80x128xf32, #tpu.memory_space<vmem>>
      tpu.enqueue_dma source(%dma_start3A_728 : memref<80x128xf32, #tpu.memory_space<vmem>>) target(%dma_start3A_725 : memref<80x128xf32, #tpu.memory_space<hbm>>) target_semaphore(%arg33 : memref<!tpu.dma_semaphore, #tpu.memory_space<semaphore_mem>>)
    } else {
    }
    %lt3A_443 = arith.constant 390 : i32
    %lt3A_444 = arith.cmpi slt, %add3A_4, %lt3A_443 : i32
    %convert_element_type3A_445 = arith.extui %lt3A_444 : i1 to i32
    %cond3A_446 = arith.constant 0 : i32
    %cond3A_447 = arith.cmpi ne, %convert_element_type3A_445, %cond3A_446 : i32
    scf.if %cond3A_447 {
      %dma_wait3A_717 = arith.constant 0 : i32
      %dma_wait3A_718 = arith.constant 0 : i32
      %dma_wait3A_719 = tpu.memref_slice %arg4[%dma_wait3A_717, %dma_wait3A_718] : memref<50000x128xf32, #tpu.memory_space<hbm>> -> memref<128x128xf32, #tpu.memory_space<hbm>>
      %dma_wait3A_720 = arith.constant 0 : i32
      %dma_wait3A_721 = arith.constant 0 : i32
      %dma_wait3A_722 = tpu.memref_slice %arg4[%dma_wait3A_720, %dma_wait3A_721] : memref<50000x128xf32, #tpu.memory_space<hbm>> -> memref<128x128xf32, #tpu.memory_space<hbm>>
      tpu.wait_dma2 semaphore(%arg33 : memref<!tpu.dma_semaphore, #tpu.memory_space<semaphore_mem>>) src(%arg6 : memref<128x128xf32, #tpu.memory_space<vmem>>) dst(%dma_wait3A_722 : memref<128x128xf32, #tpu.memory_space<hbm>>)
    } else {
    }
    %eq3A_448 = arith.constant 390 : i32
    %eq3A_449 = arith.cmpi eq, %add3A_4, %eq3A_448 : i32
    %convert_element_type3A_450 = arith.extui %eq3A_449 : i1 to i32
    %cond3A_451 = arith.constant 0 : i32
    %cond3A_452 = arith.cmpi ne, %convert_element_type3A_450, %cond3A_451 : i32
    scf.if %cond3A_452 {
      %dma_wait3A_717 = arith.constant 0 : i32
      %dma_wait3A_718 = arith.constant 0 : i32
      %dma_wait3A_719 = tpu.memref_slice %arg6[%dma_wait3A_717, %dma_wait3A_718] : memref<128x128xf32, #tpu.memory_space<vmem>> -> memref<80x128xf32, #tpu.memory_space<vmem>>
      %dma_wait3A_720 = arith.constant 0 : i32
      %dma_wait3A_721 = arith.constant 0 : i32
      %dma_wait3A_722 = tpu.memref_slice %arg4[%dma_wait3A_720, %dma_wait3A_721] : memref<50000x128xf32, #tpu.memory_space<hbm>> -> memref<80x128xf32, #tpu.memory_space<hbm>>
      %dma_wait3A_723 = arith.constant 0 : i32
      %dma_wait3A_724 = arith.constant 0 : i32
      %dma_wait3A_725 = tpu.memref_slice %arg4[%dma_wait3A_723, %dma_wait3A_724] : memref<50000x128xf32, #tpu.memory_space<hbm>> -> memref<80x128xf32, #tpu.memory_space<hbm>>
      %dma_wait3A_726 = arith.constant 0 : i32
      %dma_wait3A_727 = arith.constant 0 : i32
      %dma_wait3A_728 = tpu.memref_slice %arg6[%dma_wait3A_726, %dma_wait3A_727] : memref<128x128xf32, #tpu.memory_space<vmem>> -> memref<80x128xf32, #tpu.memory_space<vmem>>
      tpu.wait_dma2 semaphore(%arg33 : memref<!tpu.dma_semaphore, #tpu.memory_space<semaphore_mem>>) src(%dma_wait3A_728 : memref<80x128xf32, #tpu.memory_space<vmem>>) dst(%dma_wait3A_725 : memref<80x128xf32, #tpu.memory_space<hbm>>)
    } else {
    }
    %dma_wait3A_453 = arith.constant 7 : i32
    %dma_wait3A_454 = arith.constant 0 : i32
    %dma_wait3A_455 = tpu.memref_slice %arg5[%dma_wait3A_453, %dma_wait3A_454] : memref<13x128xi32, #tpu.memory_space<vmem>> -> memref<1x128xi32, #tpu.memory_space<vmem>>
    %dma_wait3A_456 = tpu.memref_squeeze %dma_wait3A_455 : memref<1x128xi32, #tpu.memory_space<vmem>> -> memref<128xi32, #tpu.memory_space<vmem>>
    %dma_wait3A_457 = tpu.memref_slice %arg3[%select_n3A_151] : memref<50000xi32, #tpu.memory_space<hbm>> -> memref<128xi32, #tpu.memory_space<hbm>>
    %dma_wait3A_458 = arith.constant 0 : i32
    %dma_wait3A_459 = tpu.memref_slice %arg5[%dma_wait3A_453, %dma_wait3A_458] : memref<13x128xi32, #tpu.memory_space<vmem>> -> memref<1x128xi32, #tpu.memory_space<vmem>>
    %dma_wait3A_460 = tpu.memref_squeeze %dma_wait3A_459 : memref<1x128xi32, #tpu.memory_space<vmem>> -> memref<128xi32, #tpu.memory_space<vmem>>
    %dma_wait3A_461 = tpu.memref_slice %arg3[%select_n3A_151] : memref<50000xi32, #tpu.memory_space<hbm>> -> memref<128xi32, #tpu.memory_space<hbm>>
    tpu.wait_dma2 semaphore(%arg20 : memref<!tpu.dma_semaphore, #tpu.memory_space<semaphore_mem>>) src(%dma_wait3A_461 : memref<128xi32, #tpu.memory_space<hbm>>) dst(%dma_wait3A_460 : memref<128xi32, #tpu.memory_space<vmem>>)
    %lt3A_462 = arith.constant 391 : i32
    %lt3A_463 = arith.cmpi slt, %add3A_32, %lt3A_462 : i32
    %convert_element_type3A_464 = arith.extui %lt3A_463 : i1 to i32
    %cond3A_465 = arith.constant 0 : i32
    %cond3A_466 = arith.cmpi ne, %convert_element_type3A_464, %cond3A_465 : i32
    scf.if %cond3A_466 {
      %dma_start3A_717 = arith.constant 7 : i32
      %dma_start3A_718 = arith.constant 0 : i32
      %dma_start3A_719 = tpu.memref_slice %arg5[%dma_start3A_717, %dma_start3A_718] : memref<13x128xi32, #tpu.memory_space<vmem>> -> memref<1x128xi32, #tpu.memory_space<vmem>>
      %dma_start3A_720 = tpu.memref_squeeze %dma_start3A_719 : memref<1x128xi32, #tpu.memory_space<vmem>> -> memref<128xi32, #tpu.memory_space<vmem>>
      %dma_start3A_721 = arith.constant 0 : i32
      %dma_start3A_722 = arith.constant 0 : i32
      %dma_start3A_723 = tpu.memref_slice %arg2[%dma_start3A_721, %dma_start3A_722] : memref<100000x128xf32, #tpu.memory_space<hbm>> -> memref<100000x128xf32, #tpu.memory_space<hbm>>
      tpu.enqueue_indirect_dma source(%dma_start3A_723 : memref<100000x128xf32, #tpu.memory_space<hbm>>) target(%arg6 : memref<128x128xf32, #tpu.memory_space<vmem>>) offsets(%dma_start3A_720 : memref<128xi32, #tpu.memory_space<vmem>>) semaphore(%arg26 : memref<!tpu.dma_semaphore, #tpu.memory_space<semaphore_mem>>)
    } else {
    }
    %lt3A_467 = arith.constant 391 : i32
    %lt3A_468 = arith.cmpi slt, %add3A_8, %lt3A_467 : i32
    %convert_element_type3A_469 = arith.extui %lt3A_468 : i1 to i32
    %cond3A_470 = arith.constant 0 : i32
    %cond3A_471 = arith.cmpi ne, %convert_element_type3A_469, %cond3A_470 : i32
    scf.if %cond3A_471 {
      %dma_wait3A_717 = arith.constant 1 : i32
      %dma_wait3A_718 = arith.constant 0 : i32
      %dma_wait3A_719 = tpu.memref_slice %arg5[%dma_wait3A_717, %dma_wait3A_718] : memref<13x128xi32, #tpu.memory_space<vmem>> -> memref<1x128xi32, #tpu.memory_space<vmem>>
      %dma_wait3A_720 = tpu.memref_squeeze %dma_wait3A_719 : memref<1x128xi32, #tpu.memory_space<vmem>> -> memref<128xi32, #tpu.memory_space<vmem>>
      %dma_wait3A_721 = arith.constant 0 : i32
      %dma_wait3A_722 = arith.constant 0 : i32
      %dma_wait3A_723 = tpu.memref_slice %arg2[%dma_wait3A_721, %dma_wait3A_722] : memref<100000x128xf32, #tpu.memory_space<hbm>> -> memref<100000x128xf32, #tpu.memory_space<hbm>>
      tpu.wait_indirect_dma semaphore(%arg27 : memref<!tpu.dma_semaphore, #tpu.memory_space<semaphore_mem>>) src(%dma_wait3A_723 : memref<100000x128xf32, #tpu.memory_space<hbm>>) dst(%arg7 : memref<128x128xf32, #tpu.memory_space<vmem>>)
    } else {
    }
    %lt3A_472 = arith.constant 390 : i32
    %lt3A_473 = arith.cmpi slt, %add3A_8, %lt3A_472 : i32
    %convert_element_type3A_474 = arith.extui %lt3A_473 : i1 to i32
    %cond3A_475 = arith.constant 0 : i32
    %cond3A_476 = arith.cmpi ne, %convert_element_type3A_474, %cond3A_475 : i32
    scf.if %cond3A_476 {
      %dma_start3A_717 = arith.constant 0 : i32
      %dma_start3A_718 = tpu.memref_slice %arg4[%select_n3A_73, %dma_start3A_717] : memref<50000x128xf32, #tpu.memory_space<hbm>> -> memref<128x128xf32, #tpu.memory_space<hbm>>
      %dma_start3A_719 = arith.constant 0 : i32
      %dma_start3A_720 = tpu.memref_slice %arg4[%select_n3A_73, %dma_start3A_719] : memref<50000x128xf32, #tpu.memory_space<hbm>> -> memref<128x128xf32, #tpu.memory_space<hbm>>
      tpu.enqueue_dma source(%arg7 : memref<128x128xf32, #tpu.memory_space<vmem>>) target(%dma_start3A_720 : memref<128x128xf32, #tpu.memory_space<hbm>>) target_semaphore(%arg34 : memref<!tpu.dma_semaphore, #tpu.memory_space<semaphore_mem>>)
    } else {
    }
    %lt3A_477 = arith.constant 390 : i32
    %lt3A_478 = arith.cmpi slt, %add3A_8, %lt3A_477 : i32
    %convert_element_type3A_479 = arith.extui %lt3A_478 : i1 to i32
    %cond3A_480 = arith.constant 0 : i32
    %cond3A_481 = arith.cmpi ne, %convert_element_type3A_479, %cond3A_480 : i32
    scf.if %cond3A_481 {
      %dma_wait3A_717 = arith.constant 0 : i32
      %dma_wait3A_718 = arith.constant 0 : i32
      %dma_wait3A_719 = tpu.memref_slice %arg4[%dma_wait3A_717, %dma_wait3A_718] : memref<50000x128xf32, #tpu.memory_space<hbm>> -> memref<128x128xf32, #tpu.memory_space<hbm>>
      %dma_wait3A_720 = arith.constant 0 : i32
      %dma_wait3A_721 = arith.constant 0 : i32
      %dma_wait3A_722 = tpu.memref_slice %arg4[%dma_wait3A_720, %dma_wait3A_721] : memref<50000x128xf32, #tpu.memory_space<hbm>> -> memref<128x128xf32, #tpu.memory_space<hbm>>
      tpu.wait_dma2 semaphore(%arg34 : memref<!tpu.dma_semaphore, #tpu.memory_space<semaphore_mem>>) src(%arg7 : memref<128x128xf32, #tpu.memory_space<vmem>>) dst(%dma_wait3A_722 : memref<128x128xf32, #tpu.memory_space<hbm>>)
    } else {
    }
    %dma_wait3A_482 = arith.constant 8 : i32
    %dma_wait3A_483 = arith.constant 0 : i32
    %dma_wait3A_484 = tpu.memref_slice %arg5[%dma_wait3A_482, %dma_wait3A_483] : memref<13x128xi32, #tpu.memory_space<vmem>> -> memref<1x128xi32, #tpu.memory_space<vmem>>
    %dma_wait3A_485 = tpu.memref_squeeze %dma_wait3A_484 : memref<1x128xi32, #tpu.memory_space<vmem>> -> memref<128xi32, #tpu.memory_space<vmem>>
    %dma_wait3A_486 = tpu.memref_slice %arg3[%select_n3A_164] : memref<50000xi32, #tpu.memory_space<hbm>> -> memref<128xi32, #tpu.memory_space<hbm>>
    %dma_wait3A_487 = arith.constant 0 : i32
    %dma_wait3A_488 = tpu.memref_slice %arg5[%dma_wait3A_482, %dma_wait3A_487] : memref<13x128xi32, #tpu.memory_space<vmem>> -> memref<1x128xi32, #tpu.memory_space<vmem>>
    %dma_wait3A_489 = tpu.memref_squeeze %dma_wait3A_488 : memref<1x128xi32, #tpu.memory_space<vmem>> -> memref<128xi32, #tpu.memory_space<vmem>>
    %dma_wait3A_490 = tpu.memref_slice %arg3[%select_n3A_164] : memref<50000xi32, #tpu.memory_space<hbm>> -> memref<128xi32, #tpu.memory_space<hbm>>
    tpu.wait_dma2 semaphore(%arg21 : memref<!tpu.dma_semaphore, #tpu.memory_space<semaphore_mem>>) src(%dma_wait3A_490 : memref<128xi32, #tpu.memory_space<hbm>>) dst(%dma_wait3A_489 : memref<128xi32, #tpu.memory_space<vmem>>)
    %lt3A_491 = arith.constant 391 : i32
    %lt3A_492 = arith.cmpi slt, %add3A_36, %lt3A_491 : i32
    %convert_element_type3A_493 = arith.extui %lt3A_492 : i1 to i32
    %cond3A_494 = arith.constant 0 : i32
    %cond3A_495 = arith.cmpi ne, %convert_element_type3A_493, %cond3A_494 : i32
    scf.if %cond3A_495 {
      %dma_start3A_717 = arith.constant 8 : i32
      %dma_start3A_718 = arith.constant 0 : i32
      %dma_start3A_719 = tpu.memref_slice %arg5[%dma_start3A_717, %dma_start3A_718] : memref<13x128xi32, #tpu.memory_space<vmem>> -> memref<1x128xi32, #tpu.memory_space<vmem>>
      %dma_start3A_720 = tpu.memref_squeeze %dma_start3A_719 : memref<1x128xi32, #tpu.memory_space<vmem>> -> memref<128xi32, #tpu.memory_space<vmem>>
      %dma_start3A_721 = arith.constant 0 : i32
      %dma_start3A_722 = arith.constant 0 : i32
      %dma_start3A_723 = tpu.memref_slice %arg2[%dma_start3A_721, %dma_start3A_722] : memref<100000x128xf32, #tpu.memory_space<hbm>> -> memref<100000x128xf32, #tpu.memory_space<hbm>>
      tpu.enqueue_indirect_dma source(%dma_start3A_723 : memref<100000x128xf32, #tpu.memory_space<hbm>>) target(%arg7 : memref<128x128xf32, #tpu.memory_space<vmem>>) offsets(%dma_start3A_720 : memref<128xi32, #tpu.memory_space<vmem>>) semaphore(%arg27 : memref<!tpu.dma_semaphore, #tpu.memory_space<semaphore_mem>>)
    } else {
    }
    %lt3A_496 = arith.constant 391 : i32
    %lt3A_497 = arith.cmpi slt, %add3A_12, %lt3A_496 : i32
    %convert_element_type3A_498 = arith.extui %lt3A_497 : i1 to i32
    %cond3A_499 = arith.constant 0 : i32
    %cond3A_500 = arith.cmpi ne, %convert_element_type3A_498, %cond3A_499 : i32
    scf.if %cond3A_500 {
      %dma_wait3A_717 = arith.constant 2 : i32
      %dma_wait3A_718 = arith.constant 0 : i32
      %dma_wait3A_719 = tpu.memref_slice %arg5[%dma_wait3A_717, %dma_wait3A_718] : memref<13x128xi32, #tpu.memory_space<vmem>> -> memref<1x128xi32, #tpu.memory_space<vmem>>
      %dma_wait3A_720 = tpu.memref_squeeze %dma_wait3A_719 : memref<1x128xi32, #tpu.memory_space<vmem>> -> memref<128xi32, #tpu.memory_space<vmem>>
      %dma_wait3A_721 = arith.constant 0 : i32
      %dma_wait3A_722 = arith.constant 0 : i32
      %dma_wait3A_723 = tpu.memref_slice %arg2[%dma_wait3A_721, %dma_wait3A_722] : memref<100000x128xf32, #tpu.memory_space<hbm>> -> memref<100000x128xf32, #tpu.memory_space<hbm>>
      tpu.wait_indirect_dma semaphore(%arg28 : memref<!tpu.dma_semaphore, #tpu.memory_space<semaphore_mem>>) src(%dma_wait3A_723 : memref<100000x128xf32, #tpu.memory_space<hbm>>) dst(%arg8 : memref<128x128xf32, #tpu.memory_space<vmem>>)
    } else {
    }
    %lt3A_501 = arith.constant 390 : i32
    %lt3A_502 = arith.cmpi slt, %add3A_12, %lt3A_501 : i32
    %convert_element_type3A_503 = arith.extui %lt3A_502 : i1 to i32
    %cond3A_504 = arith.constant 0 : i32
    %cond3A_505 = arith.cmpi ne, %convert_element_type3A_503, %cond3A_504 : i32
    scf.if %cond3A_505 {
      %dma_start3A_717 = arith.constant 0 : i32
      %dma_start3A_718 = tpu.memref_slice %arg4[%select_n3A_86, %dma_start3A_717] : memref<50000x128xf32, #tpu.memory_space<hbm>> -> memref<128x128xf32, #tpu.memory_space<hbm>>
      %dma_start3A_719 = arith.constant 0 : i32
      %dma_start3A_720 = tpu.memref_slice %arg4[%select_n3A_86, %dma_start3A_719] : memref<50000x128xf32, #tpu.memory_space<hbm>> -> memref<128x128xf32, #tpu.memory_space<hbm>>
      tpu.enqueue_dma source(%arg8 : memref<128x128xf32, #tpu.memory_space<vmem>>) target(%dma_start3A_720 : memref<128x128xf32, #tpu.memory_space<hbm>>) target_semaphore(%arg35 : memref<!tpu.dma_semaphore, #tpu.memory_space<semaphore_mem>>)
    } else {
    }
    %lt3A_506 = arith.constant 390 : i32
    %lt3A_507 = arith.cmpi slt, %add3A_12, %lt3A_506 : i32
    %convert_element_type3A_508 = arith.extui %lt3A_507 : i1 to i32
    %cond3A_509 = arith.constant 0 : i32
    %cond3A_510 = arith.cmpi ne, %convert_element_type3A_508, %cond3A_509 : i32
    scf.if %cond3A_510 {
      %dma_wait3A_717 = arith.constant 0 : i32
      %dma_wait3A_718 = arith.constant 0 : i32
      %dma_wait3A_719 = tpu.memref_slice %arg4[%dma_wait3A_717, %dma_wait3A_718] : memref<50000x128xf32, #tpu.memory_space<hbm>> -> memref<128x128xf32, #tpu.memory_space<hbm>>
      %dma_wait3A_720 = arith.constant 0 : i32
      %dma_wait3A_721 = arith.constant 0 : i32
      %dma_wait3A_722 = tpu.memref_slice %arg4[%dma_wait3A_720, %dma_wait3A_721] : memref<50000x128xf32, #tpu.memory_space<hbm>> -> memref<128x128xf32, #tpu.memory_space<hbm>>
      tpu.wait_dma2 semaphore(%arg35 : memref<!tpu.dma_semaphore, #tpu.memory_space<semaphore_mem>>) src(%arg8 : memref<128x128xf32, #tpu.memory_space<vmem>>) dst(%dma_wait3A_722 : memref<128x128xf32, #tpu.memory_space<hbm>>)
    } else {
    }
    %dma_wait3A_511 = arith.constant 9 : i32
    %dma_wait3A_512 = arith.constant 0 : i32
    %dma_wait3A_513 = tpu.memref_slice %arg5[%dma_wait3A_511, %dma_wait3A_512] : memref<13x128xi32, #tpu.memory_space<vmem>> -> memref<1x128xi32, #tpu.memory_space<vmem>>
    %dma_wait3A_514 = tpu.memref_squeeze %dma_wait3A_513 : memref<1x128xi32, #tpu.memory_space<vmem>> -> memref<128xi32, #tpu.memory_space<vmem>>
    %dma_wait3A_515 = tpu.memref_slice %arg3[%select_n3A_177] : memref<50000xi32, #tpu.memory_space<hbm>> -> memref<128xi32, #tpu.memory_space<hbm>>
    %dma_wait3A_516 = arith.constant 0 : i32
    %dma_wait3A_517 = tpu.memref_slice %arg5[%dma_wait3A_511, %dma_wait3A_516] : memref<13x128xi32, #tpu.memory_space<vmem>> -> memref<1x128xi32, #tpu.memory_space<vmem>>
    %dma_wait3A_518 = tpu.memref_squeeze %dma_wait3A_517 : memref<1x128xi32, #tpu.memory_space<vmem>> -> memref<128xi32, #tpu.memory_space<vmem>>
    %dma_wait3A_519 = tpu.memref_slice %arg3[%select_n3A_177] : memref<50000xi32, #tpu.memory_space<hbm>> -> memref<128xi32, #tpu.memory_space<hbm>>
    tpu.wait_dma2 semaphore(%arg22 : memref<!tpu.dma_semaphore, #tpu.memory_space<semaphore_mem>>) src(%dma_wait3A_519 : memref<128xi32, #tpu.memory_space<hbm>>) dst(%dma_wait3A_518 : memref<128xi32, #tpu.memory_space<vmem>>)
    %lt3A_520 = arith.constant 391 : i32
    %lt3A_521 = arith.cmpi slt, %add3A_40, %lt3A_520 : i32
    %convert_element_type3A_522 = arith.extui %lt3A_521 : i1 to i32
    %cond3A_523 = arith.constant 0 : i32
    %cond3A_524 = arith.cmpi ne, %convert_element_type3A_522, %cond3A_523 : i32
    scf.if %cond3A_524 {
      %dma_start3A_717 = arith.constant 9 : i32
      %dma_start3A_718 = arith.constant 0 : i32
      %dma_start3A_719 = tpu.memref_slice %arg5[%dma_start3A_717, %dma_start3A_718] : memref<13x128xi32, #tpu.memory_space<vmem>> -> memref<1x128xi32, #tpu.memory_space<vmem>>
      %dma_start3A_720 = tpu.memref_squeeze %dma_start3A_719 : memref<1x128xi32, #tpu.memory_space<vmem>> -> memref<128xi32, #tpu.memory_space<vmem>>
      %dma_start3A_721 = arith.constant 0 : i32
      %dma_start3A_722 = arith.constant 0 : i32
      %dma_start3A_723 = tpu.memref_slice %arg2[%dma_start3A_721, %dma_start3A_722] : memref<100000x128xf32, #tpu.memory_space<hbm>> -> memref<100000x128xf32, #tpu.memory_space<hbm>>
      tpu.enqueue_indirect_dma source(%dma_start3A_723 : memref<100000x128xf32, #tpu.memory_space<hbm>>) target(%arg8 : memref<128x128xf32, #tpu.memory_space<vmem>>) offsets(%dma_start3A_720 : memref<128xi32, #tpu.memory_space<vmem>>) semaphore(%arg28 : memref<!tpu.dma_semaphore, #tpu.memory_space<semaphore_mem>>)
    } else {
    }
    %lt3A_525 = arith.constant 391 : i32
    %lt3A_526 = arith.cmpi slt, %add3A_16, %lt3A_525 : i32
    %convert_element_type3A_527 = arith.extui %lt3A_526 : i1 to i32
    %cond3A_528 = arith.constant 0 : i32
    %cond3A_529 = arith.cmpi ne, %convert_element_type3A_527, %cond3A_528 : i32
    scf.if %cond3A_529 {
      %dma_wait3A_717 = arith.constant 3 : i32
      %dma_wait3A_718 = arith.constant 0 : i32
      %dma_wait3A_719 = tpu.memref_slice %arg5[%dma_wait3A_717, %dma_wait3A_718] : memref<13x128xi32, #tpu.memory_space<vmem>> -> memref<1x128xi32, #tpu.memory_space<vmem>>
      %dma_wait3A_720 = tpu.memref_squeeze %dma_wait3A_719 : memref<1x128xi32, #tpu.memory_space<vmem>> -> memref<128xi32, #tpu.memory_space<vmem>>
      %dma_wait3A_721 = arith.constant 0 : i32
      %dma_wait3A_722 = arith.constant 0 : i32
      %dma_wait3A_723 = tpu.memref_slice %arg2[%dma_wait3A_721, %dma_wait3A_722] : memref<100000x128xf32, #tpu.memory_space<hbm>> -> memref<100000x128xf32, #tpu.memory_space<hbm>>
      tpu.wait_indirect_dma semaphore(%arg29 : memref<!tpu.dma_semaphore, #tpu.memory_space<semaphore_mem>>) src(%dma_wait3A_723 : memref<100000x128xf32, #tpu.memory_space<hbm>>) dst(%arg9 : memref<128x128xf32, #tpu.memory_space<vmem>>)
    } else {
    }
    %lt3A_530 = arith.constant 390 : i32
    %lt3A_531 = arith.cmpi slt, %add3A_16, %lt3A_530 : i32
    %convert_element_type3A_532 = arith.extui %lt3A_531 : i1 to i32
    %cond3A_533 = arith.constant 0 : i32
    %cond3A_534 = arith.cmpi ne, %convert_element_type3A_532, %cond3A_533 : i32
    scf.if %cond3A_534 {
      %dma_start3A_717 = arith.constant 0 : i32
      %dma_start3A_718 = tpu.memref_slice %arg4[%select_n3A_99, %dma_start3A_717] : memref<50000x128xf32, #tpu.memory_space<hbm>> -> memref<128x128xf32, #tpu.memory_space<hbm>>
      %dma_start3A_719 = arith.constant 0 : i32
      %dma_start3A_720 = tpu.memref_slice %arg4[%select_n3A_99, %dma_start3A_719] : memref<50000x128xf32, #tpu.memory_space<hbm>> -> memref<128x128xf32, #tpu.memory_space<hbm>>
      tpu.enqueue_dma source(%arg9 : memref<128x128xf32, #tpu.memory_space<vmem>>) target(%dma_start3A_720 : memref<128x128xf32, #tpu.memory_space<hbm>>) target_semaphore(%arg36 : memref<!tpu.dma_semaphore, #tpu.memory_space<semaphore_mem>>)
    } else {
    }
    %lt3A_535 = arith.constant 390 : i32
    %lt3A_536 = arith.cmpi slt, %add3A_16, %lt3A_535 : i32
    %convert_element_type3A_537 = arith.extui %lt3A_536 : i1 to i32
    %cond3A_538 = arith.constant 0 : i32
    %cond3A_539 = arith.cmpi ne, %convert_element_type3A_537, %cond3A_538 : i32
    scf.if %cond3A_539 {
      %dma_wait3A_717 = arith.constant 0 : i32
      %dma_wait3A_718 = arith.constant 0 : i32
      %dma_wait3A_719 = tpu.memref_slice %arg4[%dma_wait3A_717, %dma_wait3A_718] : memref<50000x128xf32, #tpu.memory_space<hbm>> -> memref<128x128xf32, #tpu.memory_space<hbm>>
      %dma_wait3A_720 = arith.constant 0 : i32
      %dma_wait3A_721 = arith.constant 0 : i32
      %dma_wait3A_722 = tpu.memref_slice %arg4[%dma_wait3A_720, %dma_wait3A_721] : memref<50000x128xf32, #tpu.memory_space<hbm>> -> memref<128x128xf32, #tpu.memory_space<hbm>>
      tpu.wait_dma2 semaphore(%arg36 : memref<!tpu.dma_semaphore, #tpu.memory_space<semaphore_mem>>) src(%arg9 : memref<128x128xf32, #tpu.memory_space<vmem>>) dst(%dma_wait3A_722 : memref<128x128xf32, #tpu.memory_space<hbm>>)
    } else {
    }
    %dma_wait3A_540 = arith.constant 10 : i32
    %dma_wait3A_541 = arith.constant 0 : i32
    %dma_wait3A_542 = tpu.memref_slice %arg5[%dma_wait3A_540, %dma_wait3A_541] : memref<13x128xi32, #tpu.memory_space<vmem>> -> memref<1x128xi32, #tpu.memory_space<vmem>>
    %dma_wait3A_543 = tpu.memref_squeeze %dma_wait3A_542 : memref<1x128xi32, #tpu.memory_space<vmem>> -> memref<128xi32, #tpu.memory_space<vmem>>
    %dma_wait3A_544 = tpu.memref_slice %arg3[%select_n3A_190] : memref<50000xi32, #tpu.memory_space<hbm>> -> memref<128xi32, #tpu.memory_space<hbm>>
    %dma_wait3A_545 = arith.constant 0 : i32
    %dma_wait3A_546 = tpu.memref_slice %arg5[%dma_wait3A_540, %dma_wait3A_545] : memref<13x128xi32, #tpu.memory_space<vmem>> -> memref<1x128xi32, #tpu.memory_space<vmem>>
    %dma_wait3A_547 = tpu.memref_squeeze %dma_wait3A_546 : memref<1x128xi32, #tpu.memory_space<vmem>> -> memref<128xi32, #tpu.memory_space<vmem>>
    %dma_wait3A_548 = tpu.memref_slice %arg3[%select_n3A_190] : memref<50000xi32, #tpu.memory_space<hbm>> -> memref<128xi32, #tpu.memory_space<hbm>>
    tpu.wait_dma2 semaphore(%arg23 : memref<!tpu.dma_semaphore, #tpu.memory_space<semaphore_mem>>) src(%dma_wait3A_548 : memref<128xi32, #tpu.memory_space<hbm>>) dst(%dma_wait3A_547 : memref<128xi32, #tpu.memory_space<vmem>>)
    %lt3A_549 = arith.constant 391 : i32
    %lt3A_550 = arith.cmpi slt, %add3A_44, %lt3A_549 : i32
    %convert_element_type3A_551 = arith.extui %lt3A_550 : i1 to i32
    %cond3A_552 = arith.constant 0 : i32
    %cond3A_553 = arith.cmpi ne, %convert_element_type3A_551, %cond3A_552 : i32
    scf.if %cond3A_553 {
      %dma_start3A_717 = arith.constant 10 : i32
      %dma_start3A_718 = arith.constant 0 : i32
      %dma_start3A_719 = tpu.memref_slice %arg5[%dma_start3A_717, %dma_start3A_718] : memref<13x128xi32, #tpu.memory_space<vmem>> -> memref<1x128xi32, #tpu.memory_space<vmem>>
      %dma_start3A_720 = tpu.memref_squeeze %dma_start3A_719 : memref<1x128xi32, #tpu.memory_space<vmem>> -> memref<128xi32, #tpu.memory_space<vmem>>
      %dma_start3A_721 = arith.constant 0 : i32
      %dma_start3A_722 = arith.constant 0 : i32
      %dma_start3A_723 = tpu.memref_slice %arg2[%dma_start3A_721, %dma_start3A_722] : memref<100000x128xf32, #tpu.memory_space<hbm>> -> memref<100000x128xf32, #tpu.memory_space<hbm>>
      tpu.enqueue_indirect_dma source(%dma_start3A_723 : memref<100000x128xf32, #tpu.memory_space<hbm>>) target(%arg9 : memref<128x128xf32, #tpu.memory_space<vmem>>) offsets(%dma_start3A_720 : memref<128xi32, #tpu.memory_space<vmem>>) semaphore(%arg29 : memref<!tpu.dma_semaphore, #tpu.memory_space<semaphore_mem>>)
    } else {
    }
    %lt3A_554 = arith.constant 391 : i32
    %lt3A_555 = arith.cmpi slt, %add3A_20, %lt3A_554 : i32
    %convert_element_type3A_556 = arith.extui %lt3A_555 : i1 to i32
    %cond3A_557 = arith.constant 0 : i32
    %cond3A_558 = arith.cmpi ne, %convert_element_type3A_556, %cond3A_557 : i32
    scf.if %cond3A_558 {
      %dma_wait3A_717 = arith.constant 4 : i32
      %dma_wait3A_718 = arith.constant 0 : i32
      %dma_wait3A_719 = tpu.memref_slice %arg5[%dma_wait3A_717, %dma_wait3A_718] : memref<13x128xi32, #tpu.memory_space<vmem>> -> memref<1x128xi32, #tpu.memory_space<vmem>>
      %dma_wait3A_720 = tpu.memref_squeeze %dma_wait3A_719 : memref<1x128xi32, #tpu.memory_space<vmem>> -> memref<128xi32, #tpu.memory_space<vmem>>
      %dma_wait3A_721 = arith.constant 0 : i32
      %dma_wait3A_722 = arith.constant 0 : i32
      %dma_wait3A_723 = tpu.memref_slice %arg2[%dma_wait3A_721, %dma_wait3A_722] : memref<100000x128xf32, #tpu.memory_space<hbm>> -> memref<100000x128xf32, #tpu.memory_space<hbm>>
      tpu.wait_indirect_dma semaphore(%arg30 : memref<!tpu.dma_semaphore, #tpu.memory_space<semaphore_mem>>) src(%dma_wait3A_723 : memref<100000x128xf32, #tpu.memory_space<hbm>>) dst(%arg10 : memref<128x128xf32, #tpu.memory_space<vmem>>)
    } else {
    }
    %lt3A_559 = arith.constant 390 : i32
    %lt3A_560 = arith.cmpi slt, %add3A_20, %lt3A_559 : i32
    %convert_element_type3A_561 = arith.extui %lt3A_560 : i1 to i32
    %cond3A_562 = arith.constant 0 : i32
    %cond3A_563 = arith.cmpi ne, %convert_element_type3A_561, %cond3A_562 : i32
    scf.if %cond3A_563 {
      %dma_start3A_717 = arith.constant 0 : i32
      %dma_start3A_718 = tpu.memref_slice %arg4[%select_n3A_112, %dma_start3A_717] : memref<50000x128xf32, #tpu.memory_space<hbm>> -> memref<128x128xf32, #tpu.memory_space<hbm>>
      %dma_start3A_719 = arith.constant 0 : i32
      %dma_start3A_720 = tpu.memref_slice %arg4[%select_n3A_112, %dma_start3A_719] : memref<50000x128xf32, #tpu.memory_space<hbm>> -> memref<128x128xf32, #tpu.memory_space<hbm>>
      tpu.enqueue_dma source(%arg10 : memref<128x128xf32, #tpu.memory_space<vmem>>) target(%dma_start3A_720 : memref<128x128xf32, #tpu.memory_space<hbm>>) target_semaphore(%arg37 : memref<!tpu.dma_semaphore, #tpu.memory_space<semaphore_mem>>)
    } else {
    }
    %lt3A_564 = arith.constant 390 : i32
    %lt3A_565 = arith.cmpi slt, %add3A_20, %lt3A_564 : i32
    %convert_element_type3A_566 = arith.extui %lt3A_565 : i1 to i32
    %cond3A_567 = arith.constant 0 : i32
    %cond3A_568 = arith.cmpi ne, %convert_element_type3A_566, %cond3A_567 : i32
    scf.if %cond3A_568 {
      %dma_wait3A_717 = arith.constant 0 : i32
      %dma_wait3A_718 = arith.constant 0 : i32
      %dma_wait3A_719 = tpu.memref_slice %arg4[%dma_wait3A_717, %dma_wait3A_718] : memref<50000x128xf32, #tpu.memory_space<hbm>> -> memref<128x128xf32, #tpu.memory_space<hbm>>
      %dma_wait3A_720 = arith.constant 0 : i32
      %dma_wait3A_721 = arith.constant 0 : i32
      %dma_wait3A_722 = tpu.memref_slice %arg4[%dma_wait3A_720, %dma_wait3A_721] : memref<50000x128xf32, #tpu.memory_space<hbm>> -> memref<128x128xf32, #tpu.memory_space<hbm>>
      tpu.wait_dma2 semaphore(%arg37 : memref<!tpu.dma_semaphore, #tpu.memory_space<semaphore_mem>>) src(%arg10 : memref<128x128xf32, #tpu.memory_space<vmem>>) dst(%dma_wait3A_722 : memref<128x128xf32, #tpu.memory_space<hbm>>)
    } else {
    }
    %dma_wait3A_569 = arith.constant 11 : i32
    %dma_wait3A_570 = arith.constant 0 : i32
    %dma_wait3A_571 = tpu.memref_slice %arg5[%dma_wait3A_569, %dma_wait3A_570] : memref<13x128xi32, #tpu.memory_space<vmem>> -> memref<1x128xi32, #tpu.memory_space<vmem>>
    %dma_wait3A_572 = tpu.memref_squeeze %dma_wait3A_571 : memref<1x128xi32, #tpu.memory_space<vmem>> -> memref<128xi32, #tpu.memory_space<vmem>>
    %dma_wait3A_573 = tpu.memref_slice %arg3[%select_n3A_203] : memref<50000xi32, #tpu.memory_space<hbm>> -> memref<128xi32, #tpu.memory_space<hbm>>
    %dma_wait3A_574 = arith.constant 0 : i32
    %dma_wait3A_575 = tpu.memref_slice %arg5[%dma_wait3A_569, %dma_wait3A_574] : memref<13x128xi32, #tpu.memory_space<vmem>> -> memref<1x128xi32, #tpu.memory_space<vmem>>
    %dma_wait3A_576 = tpu.memref_squeeze %dma_wait3A_575 : memref<1x128xi32, #tpu.memory_space<vmem>> -> memref<128xi32, #tpu.memory_space<vmem>>
    %dma_wait3A_577 = tpu.memref_slice %arg3[%select_n3A_203] : memref<50000xi32, #tpu.memory_space<hbm>> -> memref<128xi32, #tpu.memory_space<hbm>>
    tpu.wait_dma2 semaphore(%arg24 : memref<!tpu.dma_semaphore, #tpu.memory_space<semaphore_mem>>) src(%dma_wait3A_577 : memref<128xi32, #tpu.memory_space<hbm>>) dst(%dma_wait3A_576 : memref<128xi32, #tpu.memory_space<vmem>>)
    %lt3A_578 = arith.constant 391 : i32
    %lt3A_579 = arith.cmpi slt, %add3A_48, %lt3A_578 : i32
    %convert_element_type3A_580 = arith.extui %lt3A_579 : i1 to i32
    %cond3A_581 = arith.constant 0 : i32
    %cond3A_582 = arith.cmpi ne, %convert_element_type3A_580, %cond3A_581 : i32
    scf.if %cond3A_582 {
      %dma_start3A_717 = arith.constant 11 : i32
      %dma_start3A_718 = arith.constant 0 : i32
      %dma_start3A_719 = tpu.memref_slice %arg5[%dma_start3A_717, %dma_start3A_718] : memref<13x128xi32, #tpu.memory_space<vmem>> -> memref<1x128xi32, #tpu.memory_space<vmem>>
      %dma_start3A_720 = tpu.memref_squeeze %dma_start3A_719 : memref<1x128xi32, #tpu.memory_space<vmem>> -> memref<128xi32, #tpu.memory_space<vmem>>
      %dma_start3A_721 = arith.constant 0 : i32
      %dma_start3A_722 = arith.constant 0 : i32
      %dma_start3A_723 = tpu.memref_slice %arg2[%dma_start3A_721, %dma_start3A_722] : memref<100000x128xf32, #tpu.memory_space<hbm>> -> memref<100000x128xf32, #tpu.memory_space<hbm>>
      tpu.enqueue_indirect_dma source(%dma_start3A_723 : memref<100000x128xf32, #tpu.memory_space<hbm>>) target(%arg10 : memref<128x128xf32, #tpu.memory_space<vmem>>) offsets(%dma_start3A_720 : memref<128xi32, #tpu.memory_space<vmem>>) semaphore(%arg30 : memref<!tpu.dma_semaphore, #tpu.memory_space<semaphore_mem>>)
    } else {
    }
    %lt3A_583 = arith.constant 391 : i32
    %lt3A_584 = arith.cmpi slt, %add3A_24, %lt3A_583 : i32
    %convert_element_type3A_585 = arith.extui %lt3A_584 : i1 to i32
    %cond3A_586 = arith.constant 0 : i32
    %cond3A_587 = arith.cmpi ne, %convert_element_type3A_585, %cond3A_586 : i32
    scf.if %cond3A_587 {
      %dma_wait3A_717 = arith.constant 5 : i32
      %dma_wait3A_718 = arith.constant 0 : i32
      %dma_wait3A_719 = tpu.memref_slice %arg5[%dma_wait3A_717, %dma_wait3A_718] : memref<13x128xi32, #tpu.memory_space<vmem>> -> memref<1x128xi32, #tpu.memory_space<vmem>>
      %dma_wait3A_720 = tpu.memref_squeeze %dma_wait3A_719 : memref<1x128xi32, #tpu.memory_space<vmem>> -> memref<128xi32, #tpu.memory_space<vmem>>
      %dma_wait3A_721 = arith.constant 0 : i32
      %dma_wait3A_722 = arith.constant 0 : i32
      %dma_wait3A_723 = tpu.memref_slice %arg2[%dma_wait3A_721, %dma_wait3A_722] : memref<100000x128xf32, #tpu.memory_space<hbm>> -> memref<100000x128xf32, #tpu.memory_space<hbm>>
      tpu.wait_indirect_dma semaphore(%arg31 : memref<!tpu.dma_semaphore, #tpu.memory_space<semaphore_mem>>) src(%dma_wait3A_723 : memref<100000x128xf32, #tpu.memory_space<hbm>>) dst(%arg11 : memref<128x128xf32, #tpu.memory_space<vmem>>)
    } else {
    }
    %lt3A_588 = arith.constant 390 : i32
    %lt3A_589 = arith.cmpi slt, %add3A_24, %lt3A_588 : i32
    %convert_element_type3A_590 = arith.extui %lt3A_589 : i1 to i32
    %cond3A_591 = arith.constant 0 : i32
    %cond3A_592 = arith.cmpi ne, %convert_element_type3A_590, %cond3A_591 : i32
    scf.if %cond3A_592 {
      %dma_start3A_717 = arith.constant 0 : i32
      %dma_start3A_718 = tpu.memref_slice %arg4[%select_n3A_125, %dma_start3A_717] : memref<50000x128xf32, #tpu.memory_space<hbm>> -> memref<128x128xf32, #tpu.memory_space<hbm>>
      %dma_start3A_719 = arith.constant 0 : i32
      %dma_start3A_720 = tpu.memref_slice %arg4[%select_n3A_125, %dma_start3A_719] : memref<50000x128xf32, #tpu.memory_space<hbm>> -> memref<128x128xf32, #tpu.memory_space<hbm>>
      tpu.enqueue_dma source(%arg11 : memref<128x128xf32, #tpu.memory_space<vmem>>) target(%dma_start3A_720 : memref<128x128xf32, #tpu.memory_space<hbm>>) target_semaphore(%arg38 : memref<!tpu.dma_semaphore, #tpu.memory_space<semaphore_mem>>)
    } else {
    }
    %lt3A_593 = arith.constant 390 : i32
    %lt3A_594 = arith.cmpi slt, %add3A_24, %lt3A_593 : i32
    %convert_element_type3A_595 = arith.extui %lt3A_594 : i1 to i32
    %cond3A_596 = arith.constant 0 : i32
    %cond3A_597 = arith.cmpi ne, %convert_element_type3A_595, %cond3A_596 : i32
    scf.if %cond3A_597 {
      %dma_wait3A_717 = arith.constant 0 : i32
      %dma_wait3A_718 = arith.constant 0 : i32
      %dma_wait3A_719 = tpu.memref_slice %arg4[%dma_wait3A_717, %dma_wait3A_718] : memref<50000x128xf32, #tpu.memory_space<hbm>> -> memref<128x128xf32, #tpu.memory_space<hbm>>
      %dma_wait3A_720 = arith.constant 0 : i32
      %dma_wait3A_721 = arith.constant 0 : i32
      %dma_wait3A_722 = tpu.memref_slice %arg4[%dma_wait3A_720, %dma_wait3A_721] : memref<50000x128xf32, #tpu.memory_space<hbm>> -> memref<128x128xf32, #tpu.memory_space<hbm>>
      tpu.wait_dma2 semaphore(%arg38 : memref<!tpu.dma_semaphore, #tpu.memory_space<semaphore_mem>>) src(%arg11 : memref<128x128xf32, #tpu.memory_space<vmem>>) dst(%dma_wait3A_722 : memref<128x128xf32, #tpu.memory_space<hbm>>)
    } else {
    }
    %dma_wait3A_598 = arith.constant 12 : i32
    %dma_wait3A_599 = arith.constant 0 : i32
    %dma_wait3A_600 = tpu.memref_slice %arg5[%dma_wait3A_598, %dma_wait3A_599] : memref<13x128xi32, #tpu.memory_space<vmem>> -> memref<1x128xi32, #tpu.memory_space<vmem>>
    %dma_wait3A_601 = tpu.memref_squeeze %dma_wait3A_600 : memref<1x128xi32, #tpu.memory_space<vmem>> -> memref<128xi32, #tpu.memory_space<vmem>>
    %dma_wait3A_602 = tpu.memref_slice %arg3[%select_n3A_216] : memref<50000xi32, #tpu.memory_space<hbm>> -> memref<128xi32, #tpu.memory_space<hbm>>
    %dma_wait3A_603 = arith.constant 0 : i32
    %dma_wait3A_604 = tpu.memref_slice %arg5[%dma_wait3A_598, %dma_wait3A_603] : memref<13x128xi32, #tpu.memory_space<vmem>> -> memref<1x128xi32, #tpu.memory_space<vmem>>
    %dma_wait3A_605 = tpu.memref_squeeze %dma_wait3A_604 : memref<1x128xi32, #tpu.memory_space<vmem>> -> memref<128xi32, #tpu.memory_space<vmem>>
    %dma_wait3A_606 = tpu.memref_slice %arg3[%select_n3A_216] : memref<50000xi32, #tpu.memory_space<hbm>> -> memref<128xi32, #tpu.memory_space<hbm>>
    tpu.wait_dma2 semaphore(%arg25 : memref<!tpu.dma_semaphore, #tpu.memory_space<semaphore_mem>>) src(%dma_wait3A_606 : memref<128xi32, #tpu.memory_space<hbm>>) dst(%dma_wait3A_605 : memref<128xi32, #tpu.memory_space<vmem>>)
    %lt3A_607 = arith.constant 391 : i32
    %lt3A_608 = arith.cmpi slt, %add3A_52, %lt3A_607 : i32
    %convert_element_type3A_609 = arith.extui %lt3A_608 : i1 to i32
    %cond3A_610 = arith.constant 0 : i32
    %cond3A_611 = arith.cmpi ne, %convert_element_type3A_609, %cond3A_610 : i32
    scf.if %cond3A_611 {
      %dma_start3A_717 = arith.constant 12 : i32
      %dma_start3A_718 = arith.constant 0 : i32
      %dma_start3A_719 = tpu.memref_slice %arg5[%dma_start3A_717, %dma_start3A_718] : memref<13x128xi32, #tpu.memory_space<vmem>> -> memref<1x128xi32, #tpu.memory_space<vmem>>
      %dma_start3A_720 = tpu.memref_squeeze %dma_start3A_719 : memref<1x128xi32, #tpu.memory_space<vmem>> -> memref<128xi32, #tpu.memory_space<vmem>>
      %dma_start3A_721 = arith.constant 0 : i32
      %dma_start3A_722 = arith.constant 0 : i32
      %dma_start3A_723 = tpu.memref_slice %arg2[%dma_start3A_721, %dma_start3A_722] : memref<100000x128xf32, #tpu.memory_space<hbm>> -> memref<100000x128xf32, #tpu.memory_space<hbm>>
      tpu.enqueue_indirect_dma source(%dma_start3A_723 : memref<100000x128xf32, #tpu.memory_space<hbm>>) target(%arg11 : memref<128x128xf32, #tpu.memory_space<vmem>>) offsets(%dma_start3A_720 : memref<128xi32, #tpu.memory_space<vmem>>) semaphore(%arg31 : memref<!tpu.dma_semaphore, #tpu.memory_space<semaphore_mem>>)
    } else {
    }
    %lt3A_612 = arith.constant 391 : i32
    %lt3A_613 = arith.cmpi slt, %add3A_28, %lt3A_612 : i32
    %convert_element_type3A_614 = arith.extui %lt3A_613 : i1 to i32
    %cond3A_615 = arith.constant 0 : i32
    %cond3A_616 = arith.cmpi ne, %convert_element_type3A_614, %cond3A_615 : i32
    scf.if %cond3A_616 {
      %dma_wait3A_717 = arith.constant 6 : i32
      %dma_wait3A_718 = arith.constant 0 : i32
      %dma_wait3A_719 = tpu.memref_slice %arg5[%dma_wait3A_717, %dma_wait3A_718] : memref<13x128xi32, #tpu.memory_space<vmem>> -> memref<1x128xi32, #tpu.memory_space<vmem>>
      %dma_wait3A_720 = tpu.memref_squeeze %dma_wait3A_719 : memref<1x128xi32, #tpu.memory_space<vmem>> -> memref<128xi32, #tpu.memory_space<vmem>>
      %dma_wait3A_721 = arith.constant 0 : i32
      %dma_wait3A_722 = arith.constant 0 : i32
      %dma_wait3A_723 = tpu.memref_slice %arg2[%dma_wait3A_721, %dma_wait3A_722] : memref<100000x128xf32, #tpu.memory_space<hbm>> -> memref<100000x128xf32, #tpu.memory_space<hbm>>
      tpu.wait_indirect_dma semaphore(%arg32 : memref<!tpu.dma_semaphore, #tpu.memory_space<semaphore_mem>>) src(%dma_wait3A_723 : memref<100000x128xf32, #tpu.memory_space<hbm>>) dst(%arg12 : memref<128x128xf32, #tpu.memory_space<vmem>>)
    } else {
    }
    %lt3A_617 = arith.constant 390 : i32
    %lt3A_618 = arith.cmpi slt, %add3A_28, %lt3A_617 : i32
    %convert_element_type3A_619 = arith.extui %lt3A_618 : i1 to i32
    %cond3A_620 = arith.constant 0 : i32
    %cond3A_621 = arith.cmpi ne, %convert_element_type3A_619, %cond3A_620 : i32
    scf.if %cond3A_621 {
      %dma_start3A_717 = arith.constant 0 : i32
      %dma_start3A_718 = tpu.memref_slice %arg4[%select_n3A_138, %dma_start3A_717] : memref<50000x128xf32, #tpu.memory_space<hbm>> -> memref<128x128xf32, #tpu.memory_space<hbm>>
      %dma_start3A_719 = arith.constant 0 : i32
      %dma_start3A_720 = tpu.memref_slice %arg4[%select_n3A_138, %dma_start3A_719] : memref<50000x128xf32, #tpu.memory_space<hbm>> -> memref<128x128xf32, #tpu.memory_space<hbm>>
      tpu.enqueue_dma source(%arg12 : memref<128x128xf32, #tpu.memory_space<vmem>>) target(%dma_start3A_720 : memref<128x128xf32, #tpu.memory_space<hbm>>) target_semaphore(%arg39 : memref<!tpu.dma_semaphore, #tpu.memory_space<semaphore_mem>>)
    } else {
    }
    %lt3A_622 = arith.constant 391 : i32
    %lt3A_623 = arith.cmpi slt, %add3A_32, %lt3A_622 : i32
    %convert_element_type3A_624 = arith.extui %lt3A_623 : i1 to i32
    %cond3A_625 = arith.constant 0 : i32
    %cond3A_626 = arith.cmpi ne, %convert_element_type3A_624, %cond3A_625 : i32
    scf.if %cond3A_626 {
      %dma_wait3A_717 = arith.constant 7 : i32
      %dma_wait3A_718 = arith.constant 0 : i32
      %dma_wait3A_719 = tpu.memref_slice %arg5[%dma_wait3A_717, %dma_wait3A_718] : memref<13x128xi32, #tpu.memory_space<vmem>> -> memref<1x128xi32, #tpu.memory_space<vmem>>
      %dma_wait3A_720 = tpu.memref_squeeze %dma_wait3A_719 : memref<1x128xi32, #tpu.memory_space<vmem>> -> memref<128xi32, #tpu.memory_space<vmem>>
      %dma_wait3A_721 = arith.constant 0 : i32
      %dma_wait3A_722 = arith.constant 0 : i32
      %dma_wait3A_723 = tpu.memref_slice %arg2[%dma_wait3A_721, %dma_wait3A_722] : memref<100000x128xf32, #tpu.memory_space<hbm>> -> memref<100000x128xf32, #tpu.memory_space<hbm>>
      tpu.wait_indirect_dma semaphore(%arg26 : memref<!tpu.dma_semaphore, #tpu.memory_space<semaphore_mem>>) src(%dma_wait3A_723 : memref<100000x128xf32, #tpu.memory_space<hbm>>) dst(%arg6 : memref<128x128xf32, #tpu.memory_space<vmem>>)
    } else {
    }
    %lt3A_627 = arith.constant 390 : i32
    %lt3A_628 = arith.cmpi slt, %add3A_32, %lt3A_627 : i32
    %convert_element_type3A_629 = arith.extui %lt3A_628 : i1 to i32
    %cond3A_630 = arith.constant 0 : i32
    %cond3A_631 = arith.cmpi ne, %convert_element_type3A_629, %cond3A_630 : i32
    scf.if %cond3A_631 {
      %dma_start3A_717 = arith.constant 0 : i32
      %dma_start3A_718 = tpu.memref_slice %arg4[%select_n3A_151, %dma_start3A_717] : memref<50000x128xf32, #tpu.memory_space<hbm>> -> memref<128x128xf32, #tpu.memory_space<hbm>>
      %dma_start3A_719 = arith.constant 0 : i32
      %dma_start3A_720 = tpu.memref_slice %arg4[%select_n3A_151, %dma_start3A_719] : memref<50000x128xf32, #tpu.memory_space<hbm>> -> memref<128x128xf32, #tpu.memory_space<hbm>>
      tpu.enqueue_dma source(%arg6 : memref<128x128xf32, #tpu.memory_space<vmem>>) target(%dma_start3A_720 : memref<128x128xf32, #tpu.memory_space<hbm>>) target_semaphore(%arg33 : memref<!tpu.dma_semaphore, #tpu.memory_space<semaphore_mem>>)
    } else {
    }
    %lt3A_632 = arith.constant 391 : i32
    %lt3A_633 = arith.cmpi slt, %add3A_36, %lt3A_632 : i32
    %convert_element_type3A_634 = arith.extui %lt3A_633 : i1 to i32
    %cond3A_635 = arith.constant 0 : i32
    %cond3A_636 = arith.cmpi ne, %convert_element_type3A_634, %cond3A_635 : i32
    scf.if %cond3A_636 {
      %dma_wait3A_717 = arith.constant 8 : i32
      %dma_wait3A_718 = arith.constant 0 : i32
      %dma_wait3A_719 = tpu.memref_slice %arg5[%dma_wait3A_717, %dma_wait3A_718] : memref<13x128xi32, #tpu.memory_space<vmem>> -> memref<1x128xi32, #tpu.memory_space<vmem>>
      %dma_wait3A_720 = tpu.memref_squeeze %dma_wait3A_719 : memref<1x128xi32, #tpu.memory_space<vmem>> -> memref<128xi32, #tpu.memory_space<vmem>>
      %dma_wait3A_721 = arith.constant 0 : i32
      %dma_wait3A_722 = arith.constant 0 : i32
      %dma_wait3A_723 = tpu.memref_slice %arg2[%dma_wait3A_721, %dma_wait3A_722] : memref<100000x128xf32, #tpu.memory_space<hbm>> -> memref<100000x128xf32, #tpu.memory_space<hbm>>
      tpu.wait_indirect_dma semaphore(%arg27 : memref<!tpu.dma_semaphore, #tpu.memory_space<semaphore_mem>>) src(%dma_wait3A_723 : memref<100000x128xf32, #tpu.memory_space<hbm>>) dst(%arg7 : memref<128x128xf32, #tpu.memory_space<vmem>>)
    } else {
    }
    %lt3A_637 = arith.constant 390 : i32
    %lt3A_638 = arith.cmpi slt, %add3A_36, %lt3A_637 : i32
    %convert_element_type3A_639 = arith.extui %lt3A_638 : i1 to i32
    %cond3A_640 = arith.constant 0 : i32
    %cond3A_641 = arith.cmpi ne, %convert_element_type3A_639, %cond3A_640 : i32
    scf.if %cond3A_641 {
      %dma_start3A_717 = arith.constant 0 : i32
      %dma_start3A_718 = tpu.memref_slice %arg4[%select_n3A_164, %dma_start3A_717] : memref<50000x128xf32, #tpu.memory_space<hbm>> -> memref<128x128xf32, #tpu.memory_space<hbm>>
      %dma_start3A_719 = arith.constant 0 : i32
      %dma_start3A_720 = tpu.memref_slice %arg4[%select_n3A_164, %dma_start3A_719] : memref<50000x128xf32, #tpu.memory_space<hbm>> -> memref<128x128xf32, #tpu.memory_space<hbm>>
      tpu.enqueue_dma source(%arg7 : memref<128x128xf32, #tpu.memory_space<vmem>>) target(%dma_start3A_720 : memref<128x128xf32, #tpu.memory_space<hbm>>) target_semaphore(%arg34 : memref<!tpu.dma_semaphore, #tpu.memory_space<semaphore_mem>>)
    } else {
    }
    %lt3A_642 = arith.constant 391 : i32
    %lt3A_643 = arith.cmpi slt, %add3A_40, %lt3A_642 : i32
    %convert_element_type3A_644 = arith.extui %lt3A_643 : i1 to i32
    %cond3A_645 = arith.constant 0 : i32
    %cond3A_646 = arith.cmpi ne, %convert_element_type3A_644, %cond3A_645 : i32
    scf.if %cond3A_646 {
      %dma_wait3A_717 = arith.constant 9 : i32
      %dma_wait3A_718 = arith.constant 0 : i32
      %dma_wait3A_719 = tpu.memref_slice %arg5[%dma_wait3A_717, %dma_wait3A_718] : memref<13x128xi32, #tpu.memory_space<vmem>> -> memref<1x128xi32, #tpu.memory_space<vmem>>
      %dma_wait3A_720 = tpu.memref_squeeze %dma_wait3A_719 : memref<1x128xi32, #tpu.memory_space<vmem>> -> memref<128xi32, #tpu.memory_space<vmem>>
      %dma_wait3A_721 = arith.constant 0 : i32
      %dma_wait3A_722 = arith.constant 0 : i32
      %dma_wait3A_723 = tpu.memref_slice %arg2[%dma_wait3A_721, %dma_wait3A_722] : memref<100000x128xf32, #tpu.memory_space<hbm>> -> memref<100000x128xf32, #tpu.memory_space<hbm>>
      tpu.wait_indirect_dma semaphore(%arg28 : memref<!tpu.dma_semaphore, #tpu.memory_space<semaphore_mem>>) src(%dma_wait3A_723 : memref<100000x128xf32, #tpu.memory_space<hbm>>) dst(%arg8 : memref<128x128xf32, #tpu.memory_space<vmem>>)
    } else {
    }
    %lt3A_647 = arith.constant 390 : i32
    %lt3A_648 = arith.cmpi slt, %add3A_40, %lt3A_647 : i32
    %convert_element_type3A_649 = arith.extui %lt3A_648 : i1 to i32
    %cond3A_650 = arith.constant 0 : i32
    %cond3A_651 = arith.cmpi ne, %convert_element_type3A_649, %cond3A_650 : i32
    scf.if %cond3A_651 {
      %dma_start3A_717 = arith.constant 0 : i32
      %dma_start3A_718 = tpu.memref_slice %arg4[%select_n3A_177, %dma_start3A_717] : memref<50000x128xf32, #tpu.memory_space<hbm>> -> memref<128x128xf32, #tpu.memory_space<hbm>>
      %dma_start3A_719 = arith.constant 0 : i32
      %dma_start3A_720 = tpu.memref_slice %arg4[%select_n3A_177, %dma_start3A_719] : memref<50000x128xf32, #tpu.memory_space<hbm>> -> memref<128x128xf32, #tpu.memory_space<hbm>>
      tpu.enqueue_dma source(%arg8 : memref<128x128xf32, #tpu.memory_space<vmem>>) target(%dma_start3A_720 : memref<128x128xf32, #tpu.memory_space<hbm>>) target_semaphore(%arg35 : memref<!tpu.dma_semaphore, #tpu.memory_space<semaphore_mem>>)
    } else {
    }
    %lt3A_652 = arith.constant 391 : i32
    %lt3A_653 = arith.cmpi slt, %add3A_44, %lt3A_652 : i32
    %convert_element_type3A_654 = arith.extui %lt3A_653 : i1 to i32
    %cond3A_655 = arith.constant 0 : i32
    %cond3A_656 = arith.cmpi ne, %convert_element_type3A_654, %cond3A_655 : i32
    scf.if %cond3A_656 {
      %dma_wait3A_717 = arith.constant 10 : i32
      %dma_wait3A_718 = arith.constant 0 : i32
      %dma_wait3A_719 = tpu.memref_slice %arg5[%dma_wait3A_717, %dma_wait3A_718] : memref<13x128xi32, #tpu.memory_space<vmem>> -> memref<1x128xi32, #tpu.memory_space<vmem>>
      %dma_wait3A_720 = tpu.memref_squeeze %dma_wait3A_719 : memref<1x128xi32, #tpu.memory_space<vmem>> -> memref<128xi32, #tpu.memory_space<vmem>>
      %dma_wait3A_721 = arith.constant 0 : i32
      %dma_wait3A_722 = arith.constant 0 : i32
      %dma_wait3A_723 = tpu.memref_slice %arg2[%dma_wait3A_721, %dma_wait3A_722] : memref<100000x128xf32, #tpu.memory_space<hbm>> -> memref<100000x128xf32, #tpu.memory_space<hbm>>
      tpu.wait_indirect_dma semaphore(%arg29 : memref<!tpu.dma_semaphore, #tpu.memory_space<semaphore_mem>>) src(%dma_wait3A_723 : memref<100000x128xf32, #tpu.memory_space<hbm>>) dst(%arg9 : memref<128x128xf32, #tpu.memory_space<vmem>>)
    } else {
    }
    %lt3A_657 = arith.constant 390 : i32
    %lt3A_658 = arith.cmpi slt, %add3A_44, %lt3A_657 : i32
    %convert_element_type3A_659 = arith.extui %lt3A_658 : i1 to i32
    %cond3A_660 = arith.constant 0 : i32
    %cond3A_661 = arith.cmpi ne, %convert_element_type3A_659, %cond3A_660 : i32
    scf.if %cond3A_661 {
      %dma_start3A_717 = arith.constant 0 : i32
      %dma_start3A_718 = tpu.memref_slice %arg4[%select_n3A_190, %dma_start3A_717] : memref<50000x128xf32, #tpu.memory_space<hbm>> -> memref<128x128xf32, #tpu.memory_space<hbm>>
      %dma_start3A_719 = arith.constant 0 : i32
      %dma_start3A_720 = tpu.memref_slice %arg4[%select_n3A_190, %dma_start3A_719] : memref<50000x128xf32, #tpu.memory_space<hbm>> -> memref<128x128xf32, #tpu.memory_space<hbm>>
      tpu.enqueue_dma source(%arg9 : memref<128x128xf32, #tpu.memory_space<vmem>>) target(%dma_start3A_720 : memref<128x128xf32, #tpu.memory_space<hbm>>) target_semaphore(%arg36 : memref<!tpu.dma_semaphore, #tpu.memory_space<semaphore_mem>>)
    } else {
    }
    %lt3A_662 = arith.constant 391 : i32
    %lt3A_663 = arith.cmpi slt, %add3A_48, %lt3A_662 : i32
    %convert_element_type3A_664 = arith.extui %lt3A_663 : i1 to i32
    %cond3A_665 = arith.constant 0 : i32
    %cond3A_666 = arith.cmpi ne, %convert_element_type3A_664, %cond3A_665 : i32
    scf.if %cond3A_666 {
      %dma_wait3A_717 = arith.constant 11 : i32
      %dma_wait3A_718 = arith.constant 0 : i32
      %dma_wait3A_719 = tpu.memref_slice %arg5[%dma_wait3A_717, %dma_wait3A_718] : memref<13x128xi32, #tpu.memory_space<vmem>> -> memref<1x128xi32, #tpu.memory_space<vmem>>
      %dma_wait3A_720 = tpu.memref_squeeze %dma_wait3A_719 : memref<1x128xi32, #tpu.memory_space<vmem>> -> memref<128xi32, #tpu.memory_space<vmem>>
      %dma_wait3A_721 = arith.constant 0 : i32
      %dma_wait3A_722 = arith.constant 0 : i32
      %dma_wait3A_723 = tpu.memref_slice %arg2[%dma_wait3A_721, %dma_wait3A_722] : memref<100000x128xf32, #tpu.memory_space<hbm>> -> memref<100000x128xf32, #tpu.memory_space<hbm>>
      tpu.wait_indirect_dma semaphore(%arg30 : memref<!tpu.dma_semaphore, #tpu.memory_space<semaphore_mem>>) src(%dma_wait3A_723 : memref<100000x128xf32, #tpu.memory_space<hbm>>) dst(%arg10 : memref<128x128xf32, #tpu.memory_space<vmem>>)
    } else {
    }
    %lt3A_667 = arith.constant 390 : i32
    %lt3A_668 = arith.cmpi slt, %add3A_48, %lt3A_667 : i32
    %convert_element_type3A_669 = arith.extui %lt3A_668 : i1 to i32
    %cond3A_670 = arith.constant 0 : i32
    %cond3A_671 = arith.cmpi ne, %convert_element_type3A_669, %cond3A_670 : i32
    scf.if %cond3A_671 {
      %dma_start3A_717 = arith.constant 0 : i32
      %dma_start3A_718 = tpu.memref_slice %arg4[%select_n3A_203, %dma_start3A_717] : memref<50000x128xf32, #tpu.memory_space<hbm>> -> memref<128x128xf32, #tpu.memory_space<hbm>>
      %dma_start3A_719 = arith.constant 0 : i32
      %dma_start3A_720 = tpu.memref_slice %arg4[%select_n3A_203, %dma_start3A_719] : memref<50000x128xf32, #tpu.memory_space<hbm>> -> memref<128x128xf32, #tpu.memory_space<hbm>>
      tpu.enqueue_dma source(%arg10 : memref<128x128xf32, #tpu.memory_space<vmem>>) target(%dma_start3A_720 : memref<128x128xf32, #tpu.memory_space<hbm>>) target_semaphore(%arg37 : memref<!tpu.dma_semaphore, #tpu.memory_space<semaphore_mem>>)
    } else {
    }
    %lt3A_672 = arith.constant 391 : i32
    %lt3A_673 = arith.cmpi slt, %add3A_52, %lt3A_672 : i32
    %convert_element_type3A_674 = arith.extui %lt3A_673 : i1 to i32
    %cond3A_675 = arith.constant 0 : i32
    %cond3A_676 = arith.cmpi ne, %convert_element_type3A_674, %cond3A_675 : i32
    scf.if %cond3A_676 {
      %dma_wait3A_717 = arith.constant 12 : i32
      %dma_wait3A_718 = arith.constant 0 : i32
      %dma_wait3A_719 = tpu.memref_slice %arg5[%dma_wait3A_717, %dma_wait3A_718] : memref<13x128xi32, #tpu.memory_space<vmem>> -> memref<1x128xi32, #tpu.memory_space<vmem>>
      %dma_wait3A_720 = tpu.memref_squeeze %dma_wait3A_719 : memref<1x128xi32, #tpu.memory_space<vmem>> -> memref<128xi32, #tpu.memory_space<vmem>>
      %dma_wait3A_721 = arith.constant 0 : i32
      %dma_wait3A_722 = arith.constant 0 : i32
      %dma_wait3A_723 = tpu.memref_slice %arg2[%dma_wait3A_721, %dma_wait3A_722] : memref<100000x128xf32, #tpu.memory_space<hbm>> -> memref<100000x128xf32, #tpu.memory_space<hbm>>
      tpu.wait_indirect_dma semaphore(%arg31 : memref<!tpu.dma_semaphore, #tpu.memory_space<semaphore_mem>>) src(%dma_wait3A_723 : memref<100000x128xf32, #tpu.memory_space<hbm>>) dst(%arg11 : memref<128x128xf32, #tpu.memory_space<vmem>>)
    } else {
    }
    %lt3A_677 = arith.constant 390 : i32
    %lt3A_678 = arith.cmpi slt, %add3A_52, %lt3A_677 : i32
    %convert_element_type3A_679 = arith.extui %lt3A_678 : i1 to i32
    %cond3A_680 = arith.constant 0 : i32
    %cond3A_681 = arith.cmpi ne, %convert_element_type3A_679, %cond3A_680 : i32
    scf.if %cond3A_681 {
      %dma_start3A_717 = arith.constant 0 : i32
      %dma_start3A_718 = tpu.memref_slice %arg4[%select_n3A_216, %dma_start3A_717] : memref<50000x128xf32, #tpu.memory_space<hbm>> -> memref<128x128xf32, #tpu.memory_space<hbm>>
      %dma_start3A_719 = arith.constant 0 : i32
      %dma_start3A_720 = tpu.memref_slice %arg4[%select_n3A_216, %dma_start3A_719] : memref<50000x128xf32, #tpu.memory_space<hbm>> -> memref<128x128xf32, #tpu.memory_space<hbm>>
      tpu.enqueue_dma source(%arg11 : memref<128x128xf32, #tpu.memory_space<vmem>>) target(%dma_start3A_720 : memref<128x128xf32, #tpu.memory_space<hbm>>) target_semaphore(%arg38 : memref<!tpu.dma_semaphore, #tpu.memory_space<semaphore_mem>>)
    } else {
    }
    %lt3A_682 = arith.constant 390 : i32
    %lt3A_683 = arith.cmpi slt, %add3A_28, %lt3A_682 : i32
    %convert_element_type3A_684 = arith.extui %lt3A_683 : i1 to i32
    %cond3A_685 = arith.constant 0 : i32
    %cond3A_686 = arith.cmpi ne, %convert_element_type3A_684, %cond3A_685 : i32
    scf.if %cond3A_686 {
      %dma_wait3A_717 = arith.constant 0 : i32
      %dma_wait3A_718 = arith.constant 0 : i32
      %dma_wait3A_719 = tpu.memref_slice %arg4[%dma_wait3A_717, %dma_wait3A_718] : memref<50000x128xf32, #tpu.memory_space<hbm>> -> memref<128x128xf32, #tpu.memory_space<hbm>>
      %dma_wait3A_720 = arith.constant 0 : i32
      %dma_wait3A_721 = arith.constant 0 : i32
      %dma_wait3A_722 = tpu.memref_slice %arg4[%dma_wait3A_720, %dma_wait3A_721] : memref<50000x128xf32, #tpu.memory_space<hbm>> -> memref<128x128xf32, #tpu.memory_space<hbm>>
      tpu.wait_dma2 semaphore(%arg39 : memref<!tpu.dma_semaphore, #tpu.memory_space<semaphore_mem>>) src(%arg12 : memref<128x128xf32, #tpu.memory_space<vmem>>) dst(%dma_wait3A_722 : memref<128x128xf32, #tpu.memory_space<hbm>>)
    } else {
    }
    %lt3A_687 = arith.constant 390 : i32
    %lt3A_688 = arith.cmpi slt, %add3A_32, %lt3A_687 : i32
    %convert_element_type3A_689 = arith.extui %lt3A_688 : i1 to i32
    %cond3A_690 = arith.constant 0 : i32
    %cond3A_691 = arith.cmpi ne, %convert_element_type3A_689, %cond3A_690 : i32
    scf.if %cond3A_691 {
      %dma_wait3A_717 = arith.constant 0 : i32
      %dma_wait3A_718 = arith.constant 0 : i32
      %dma_wait3A_719 = tpu.memref_slice %arg4[%dma_wait3A_717, %dma_wait3A_718] : memref<50000x128xf32, #tpu.memory_space<hbm>> -> memref<128x128xf32, #tpu.memory_space<hbm>>
      %dma_wait3A_720 = arith.constant 0 : i32
      %dma_wait3A_721 = arith.constant 0 : i32
      %dma_wait3A_722 = tpu.memref_slice %arg4[%dma_wait3A_720, %dma_wait3A_721] : memref<50000x128xf32, #tpu.memory_space<hbm>> -> memref<128x128xf32, #tpu.memory_space<hbm>>
      tpu.wait_dma2 semaphore(%arg33 : memref<!tpu.dma_semaphore, #tpu.memory_space<semaphore_mem>>) src(%arg6 : memref<128x128xf32, #tpu.memory_space<vmem>>) dst(%dma_wait3A_722 : memref<128x128xf32, #tpu.memory_space<hbm>>)
    } else {
    }
    %lt3A_692 = arith.constant 390 : i32
    %lt3A_693 = arith.cmpi slt, %add3A_36, %lt3A_692 : i32
    %convert_element_type3A_694 = arith.extui %lt3A_693 : i1 to i32
    %cond3A_695 = arith.constant 0 : i32
    %cond3A_696 = arith.cmpi ne, %convert_element_type3A_694, %cond3A_695 : i32
    scf.if %cond3A_696 {
      %dma_wait3A_717 = arith.constant 0 : i32
      %dma_wait3A_718 = arith.constant 0 : i32
      %dma_wait3A_719 = tpu.memref_slice %arg4[%dma_wait3A_717, %dma_wait3A_718] : memref<50000x128xf32, #tpu.memory_space<hbm>> -> memref<128x128xf32, #tpu.memory_space<hbm>>
      %dma_wait3A_720 = arith.constant 0 : i32
      %dma_wait3A_721 = arith.constant 0 : i32
      %dma_wait3A_722 = tpu.memref_slice %arg4[%dma_wait3A_720, %dma_wait3A_721] : memref<50000x128xf32, #tpu.memory_space<hbm>> -> memref<128x128xf32, #tpu.memory_space<hbm>>
      tpu.wait_dma2 semaphore(%arg34 : memref<!tpu.dma_semaphore, #tpu.memory_space<semaphore_mem>>) src(%arg7 : memref<128x128xf32, #tpu.memory_space<vmem>>) dst(%dma_wait3A_722 : memref<128x128xf32, #tpu.memory_space<hbm>>)
    } else {
    }
    %lt3A_697 = arith.constant 390 : i32
    %lt3A_698 = arith.cmpi slt, %add3A_40, %lt3A_697 : i32
    %convert_element_type3A_699 = arith.extui %lt3A_698 : i1 to i32
    %cond3A_700 = arith.constant 0 : i32
    %cond3A_701 = arith.cmpi ne, %convert_element_type3A_699, %cond3A_700 : i32
    scf.if %cond3A_701 {
      %dma_wait3A_717 = arith.constant 0 : i32
      %dma_wait3A_718 = arith.constant 0 : i32
      %dma_wait3A_719 = tpu.memref_slice %arg4[%dma_wait3A_717, %dma_wait3A_718] : memref<50000x128xf32, #tpu.memory_space<hbm>> -> memref<128x128xf32, #tpu.memory_space<hbm>>
      %dma_wait3A_720 = arith.constant 0 : i32
      %dma_wait3A_721 = arith.constant 0 : i32
      %dma_wait3A_722 = tpu.memref_slice %arg4[%dma_wait3A_720, %dma_wait3A_721] : memref<50000x128xf32, #tpu.memory_space<hbm>> -> memref<128x128xf32, #tpu.memory_space<hbm>>
      tpu.wait_dma2 semaphore(%arg35 : memref<!tpu.dma_semaphore, #tpu.memory_space<semaphore_mem>>) src(%arg8 : memref<128x128xf32, #tpu.memory_space<vmem>>) dst(%dma_wait3A_722 : memref<128x128xf32, #tpu.memory_space<hbm>>)
    } else {
    }
    %lt3A_702 = arith.constant 390 : i32
    %lt3A_703 = arith.cmpi slt, %add3A_44, %lt3A_702 : i32
    %convert_element_type3A_704 = arith.extui %lt3A_703 : i1 to i32
    %cond3A_705 = arith.constant 0 : i32
    %cond3A_706 = arith.cmpi ne, %convert_element_type3A_704, %cond3A_705 : i32
    scf.if %cond3A_706 {
      %dma_wait3A_717 = arith.constant 0 : i32
      %dma_wait3A_718 = arith.constant 0 : i32
      %dma_wait3A_719 = tpu.memref_slice %arg4[%dma_wait3A_717, %dma_wait3A_718] : memref<50000x128xf32, #tpu.memory_space<hbm>> -> memref<128x128xf32, #tpu.memory_space<hbm>>
      %dma_wait3A_720 = arith.constant 0 : i32
      %dma_wait3A_721 = arith.constant 0 : i32
      %dma_wait3A_722 = tpu.memref_slice %arg4[%dma_wait3A_720, %dma_wait3A_721] : memref<50000x128xf32, #tpu.memory_space<hbm>> -> memref<128x128xf32, #tpu.memory_space<hbm>>
      tpu.wait_dma2 semaphore(%arg36 : memref<!tpu.dma_semaphore, #tpu.memory_space<semaphore_mem>>) src(%arg9 : memref<128x128xf32, #tpu.memory_space<vmem>>) dst(%dma_wait3A_722 : memref<128x128xf32, #tpu.memory_space<hbm>>)
    } else {
    }
    %lt3A_707 = arith.constant 390 : i32
    %lt3A_708 = arith.cmpi slt, %add3A_48, %lt3A_707 : i32
    %convert_element_type3A_709 = arith.extui %lt3A_708 : i1 to i32
    %cond3A_710 = arith.constant 0 : i32
    %cond3A_711 = arith.cmpi ne, %convert_element_type3A_709, %cond3A_710 : i32
    scf.if %cond3A_711 {
      %dma_wait3A_717 = arith.constant 0 : i32
      %dma_wait3A_718 = arith.constant 0 : i32
      %dma_wait3A_719 = tpu.memref_slice %arg4[%dma_wait3A_717, %dma_wait3A_718] : memref<50000x128xf32, #tpu.memory_space<hbm>> -> memref<128x128xf32, #tpu.memory_space<hbm>>
      %dma_wait3A_720 = arith.constant 0 : i32
      %dma_wait3A_721 = arith.constant 0 : i32
      %dma_wait3A_722 = tpu.memref_slice %arg4[%dma_wait3A_720, %dma_wait3A_721] : memref<50000x128xf32, #tpu.memory_space<hbm>> -> memref<128x128xf32, #tpu.memory_space<hbm>>
      tpu.wait_dma2 semaphore(%arg37 : memref<!tpu.dma_semaphore, #tpu.memory_space<semaphore_mem>>) src(%arg10 : memref<128x128xf32, #tpu.memory_space<vmem>>) dst(%dma_wait3A_722 : memref<128x128xf32, #tpu.memory_space<hbm>>)
    } else {
    }
    %lt3A_712 = arith.constant 390 : i32
    %lt3A_713 = arith.cmpi slt, %add3A_52, %lt3A_712 : i32
    %convert_element_type3A_714 = arith.extui %lt3A_713 : i1 to i32
    %cond3A_715 = arith.constant 0 : i32
    %cond3A_716 = arith.cmpi ne, %convert_element_type3A_714, %cond3A_715 : i32
    scf.if %cond3A_716 {
      %dma_wait3A_717 = arith.constant 0 : i32
      %dma_wait3A_718 = arith.constant 0 : i32
      %dma_wait3A_719 = tpu.memref_slice %arg4[%dma_wait3A_717, %dma_wait3A_718] : memref<50000x128xf32, #tpu.memory_space<hbm>> -> memref<128x128xf32, #tpu.memory_space<hbm>>
      %dma_wait3A_720 = arith.constant 0 : i32
      %dma_wait3A_721 = arith.constant 0 : i32
      %dma_wait3A_722 = tpu.memref_slice %arg4[%dma_wait3A_720, %dma_wait3A_721] : memref<50000x128xf32, #tpu.memory_space<hbm>> -> memref<128x128xf32, #tpu.memory_space<hbm>>
      tpu.wait_dma2 semaphore(%arg38 : memref<!tpu.dma_semaphore, #tpu.memory_space<semaphore_mem>>) src(%arg11 : memref<128x128xf32, #tpu.memory_space<vmem>>) dst(%dma_wait3A_722 : memref<128x128xf32, #tpu.memory_space<hbm>>)
    } else {
    }
    return
  }
}

</mosaic_0001>

<sc_bundles>
// kernel: kernel.3.cloned.1.call-start
scs
__scs_entry_jumppad:
0x0: {  	(pc) =	sbr.rel $0x88, $3  }
0x1: {  	(tag) =	ssettag $0x0;
	lr =	simm.s32 $0x1  }
0x2: {  	[smem:$0x3F9F] =	sst lr;
	_ =	strace $0xD0000000  }
0x3: {  	_ = 	snop  }
0x4: {  	_ = 	snop  }
0x5: {  	_ = 	snop  }
0x6: {  	_ = 	snop  }
0x7: {  	_ = 	snop  }
__scs_overlays_trampoline_lowered:
0x8: {  	[smem:$0x3FAE] =	sst s0  }
0x9: {  	[smem:$0x3FAF] =	sst s1  }
0xa: {  	[smem:$0x3FB0] =	sst s2  }
0xb: {  	[smem:$0x3FB1] =	sst s3  }
0xc: {  	[smem:$0x3FB2] =	sst s4  }
0xd: {  	[smem:$0x3FB3] =	sst s5  }
0xe: {  	[smem:$0x3FB4] =	sst s6  }
0xf: {  	[smem:$0x3FB5] =	sst s7  }
0x10: {  	[smem:$0x3FB6] =	sst s8  }
0x11: {  	[smem:$0x3FB7] =	sst s9;
	s0 =	simm.s32 @!p0 $0x0  }
0x12: {  	s1 =	sld [smem:$0x3F9D];
	s0 =	simm.s32 @p0 $0x1  }
0x13: {  	[smem:$0x3FB8] =	sst s0;
	s0 =	simm.s32 @!p1 $0x0  }
0x14: {  	s2 =	sld [smem:$0x3F9C];
	s0 =	simm.s32 @p1 $0x1  }
0x15: {  	[smem:$0x3FB9] =	sst s0;
	s0 =	simm.s32 @!p2 $0x0  }
0x16: {  	s3 =	sld [smem:$0x3FDB];
	s0 =	simm.s32 @p2 $0x1  }
0x17: {  	s4 =	simm.s32 $0x1BF5;
	[smem:$0x3FBB] =	sst s0  }
0x18: {  	s0 =	sld [smem:$0x3F9E];
	_ =	swait.ge [sflag:s4], $0x0  }
0x19: {  	s7 =	sld [smem:$0x3F9F]  }
0x1a: {  	s8 =	sadd.s32 $0xFFFFE003, lr  }
0x1b: {  	s9 =	sadd.s32 $0xFFFFFEF7, lr;
	s5 =	simm.s32 $0xFFFFFFFF;
	p2 =	slt.u32 s8, $0xFFFFF086  }
0x1c: {  	p1 =	slt.u32 s9, $0xF7A;
	s5 =	simm.s32 @!p2 $0x0  }
0x1d: {  	s5 =	simm.s32 @p1 $0x1;
	p0 =	seq.s32 s7, s2  }
0x1e: {  	s7 =	smul.u32 @!p0 $0xF7A, s2;
	p2 =	seq.s32 @!p0 s5, $0x0  }
0x1f: {  	s9 =	smul.u32 $0xF7A, s1;
	s8 =	simm.s32 @!p0 $0x1BF5;
	p2 =	por !p2, p0  }
0x20: {  	[sflag:s8] =	ssyncset.s32 @!p0 $0xFFFFF086;
	s6 =	sadd.s32 @!p0 s3, s7;
	s7 =	simm.s32 @!p0 $0x108  }
0x21: {  	s3 =	sadd.s32 s3, s9;
	s6 =	sadd.s32 @!p0 $0x88, s6;
	s7 =	simm.s32 @p2 $0x1082  }
0x22: {  	[simem:s7], [sflag:s8] =	dma.local @!p0 [hbm:s6], $0xF7A  }
0x23: {  	s9 =	sor.u32 $0xD0000000, s2;
	s6 =	simm.s32 $0x108;
	_ =	swait.ge @!p0 [sflag:s8], $0x0  }
0x24: {  	s3 =	sadd.s32 $0x88, s3;
	s6 =	simm.s32 @!p1 $0x1082;
	[sflag:s4] =	ssyncset.s32 $0xFFFFF086  }
0x25: {  	[simem:s6], [sflag:s4] =	dma.local [hbm:s3], $0xF7A  }
0x26: {  	[smem:$0x3F9F] =	sst s1;
	(tag) =	ssettag s2;
	_ =	strace s9  }
0x27: {  	s1 =	sld [smem:$0x3FAF]  }
0x28: {  	s2 =	sld [smem:$0x3FB0]  }
0x29: {  	s4 =	sld [smem:$0x3FB2]  }
0x2a: {  	p0 =	seq.s32 s5, $0x0;
	s5 =	sld [smem:$0x3FB3]  }
0x2b: {  	s6 =	sld [smem:$0x3FB4]  }
0x2c: {  	s7 =	sld [smem:$0x3FB5]  }
0x2d: {  	s3 =	simm.s32 $0x108;
	s8 =	sld [smem:$0x3FB6]  }
0x2e: {  	s3 =	simm.s32 @!p0 $0x1082;
	s9 =	sld [smem:$0x3FB7]  }
0x2f: {  	lr =	sadd.s32 s0, s3;
	s0 =	sld [smem:$0x3FAE]  }
0x30: {  	s3 =	sld [smem:$0x3FB1]  }
0x31: {  	[smem:$0x3FBA] =	sst s10  }
0x32: {  	s10 =	sld [smem:$0x3FB8];
	_ =	sdelay $0x3  }
0x33: {  	p0 =	seq.s32 s10, $0x1;
	s10 =	sld [smem:$0x3FBA];
	_ =	sdelay $0x3  }
0x34: {  	[smem:$0x3FBA] =	sst s10  }
0x35: {  	s10 =	sld [smem:$0x3FB9];
	_ =	sdelay $0x3  }
0x36: {  	p1 =	seq.s32 s10, $0x1;
	s10 =	sld [smem:$0x3FBA];
	_ =	sdelay $0x3  }
0x37: {  	[smem:$0x3FBA] =	sst s10  }
0x38: {  	s10 =	sld [smem:$0x3FBB]  }
0x39: {  	_ = 	snop;
	(pc) =	sbr.ind lr, $3  }
0x3a: {  	_ = 	snop  }
0x3b: {  	_ = 	snop  }
0x3c: {  	p2 =	seq.s32 s10, $0x1;
	s10 =	sld [smem:$0x3FBA]  }
0x3d: {  	_ =	shalt  }
0x3e: {  	_ =	shalt  }
0x3f: {  	_ =	shalt  }
0x40: {  	_ =	shalt  }
0x41: {  	_ =	shalt  }
0x42: {  	_ =	shalt  }
0x43: {  	_ =	shalt  }
0x44: {  	_ =	shalt  }
0x45: {  	_ =	shalt  }
0x46: {  	_ =	shalt  }
0x47: {  	_ =	shalt  }
0x48: {  	_ =	shalt  }
0x49: {  	_ =	shalt  }
0x4a: {  	_ =	shalt  }
0x4b: {  	_ =	shalt  }
0x4c: {  	_ =	shalt  }
0x4d: {  	_ =	shalt  }
0x4e: {  	_ =	shalt  }
0x4f: {  	_ =	shalt  }
0x50: {  	_ =	shalt  }
0x51: {  	_ =	shalt  }
0x52: {  	_ =	shalt  }
0x53: {  	_ =	shalt  }
0x54: {  	_ =	shalt  }
0x55: {  	_ =	shalt  }
0x56: {  	_ =	shalt  }
0x57: {  	_ =	shalt  }
0x58: {  	_ =	shalt  }
0x59: {  	_ =	shalt  }
0x5a: {  	_ =	shalt  }
0x5b: {  	_ =	shalt  }
0x5c: {  	_ =	shalt  }
0x5d: {  	_ =	shalt  }
0x5e: {  	_ =	shalt  }
0x5f: {  	_ =	shalt  }
0x60: {  	_ =	shalt  }
0x61: {  	_ =	shalt  }
0x62: {  	_ =	shalt  }
0x63: {  	_ =	shalt  }
0x64: {  	_ =	shalt  }
0x65: {  	_ =	shalt  }
0x66: {  	_ =	shalt  }
0x67: {  	_ =	shalt  }
0x68: {  	_ =	shalt  }
0x69: {  	_ =	shalt  }
0x6a: {  	_ =	shalt  }
0x6b: {  	_ =	shalt  }
0x6c: {  	_ =	shalt  }
0x6d: {  	_ =	shalt  }
0x6e: {  	_ =	shalt  }
0x6f: {  	_ =	shalt  }
0x70: {  	_ =	shalt  }
0x71: {  	_ =	shalt  }
0x72: {  	_ =	shalt  }
0x73: {  	_ =	shalt  }
0x74: {  	_ =	shalt  }
0x75: {  	_ =	shalt  }
0x76: {  	_ =	shalt  }
0x77: {  	_ =	shalt  }
0x78: {  	_ =	shalt  }
0x79: {  	_ =	shalt  }
0x7a: {  	_ =	shalt  }
0x7b: {  	_ =	shalt  }
0x7c: {  	_ =	shalt  }
0x7d: {  	_ =	shalt  }
0x7e: {  	_ =	shalt  }
0x7f: {  	_ =	shalt  }
0x80: {  	_ =	shalt  }
0x81: {  	_ =	shalt  }
0x82: {  	_ =	shalt  }
0x83: {  	_ =	shalt  }
0x84: {  	_ =	shalt  }
0x85: {  	_ =	shalt  }
0x86: {  	_ =	shalt  }
0x87: {  	_ =	shalt  }
.Lfunc_end0:
.L_simem_size_0:
called_computation_lowered:
.L_overlay_start_0:
0x88: {  	s2 =	sld [smem:$0x3FD9]  }
0x89: {  	s3 =	sld [smem:$0x3FFE];
	_ =	sdelay $0x1  }
0x8a: {  	s1 =	srdreg.scid  }
0x8b: {  	s0 =	sand.u32 $0x1, s1  }
0x8c: {  	s18 =	sshll.u32 s0, $0xA;
	s2 =	sadd.s32 s3, s2  }
0x8d: {  	s2 =	sadd.s32 s2, s18  }
0x8e: {  	[smem:$0x3FC6] =	sst s2  }
0x8f: {  	_ = 	snop  }
0x90: {  	s2 =	sld [smem:$0x3FC9]  }
0x91: {  	s19 =	sld [smem:$0x3FC8]  }
0x92: {  	s4 =	sld [smem:$0x3FD0];
	(tm) =	ssettm $0x1  }
0x93: {  	s5 =	sld [smem:$0x3FFB];
	_ =	sdelay $0x3  }
0x94: {  	_ =	strace s5  }
0x95: {  	s5 =	sld [smem:$0x3FFC];
	_ =	sdelay $0x3  }
0x96: {  	_ =	strace s5  }
0x97: {  	s5 =	sld [smem:$0x3FFD];
	_ =	sdelay $0x3  }
0x98: {  	_ =	strace s5  }
0x99: {  	_ =	strace $0x8FFFFFFF  }
0x9a: {  	s20 =	sld [smem:$0x3FDB];
	_ =	sdelay $0x1  }
0x9b: {  	s6 =	simm.s32 $_scs_section_size  }
0x9c: {  	s7 =	simm.s32 $_size__tile_overlayer_lowered;
	s8 =	simm.s32 $_tile_overlayer_lowered  }
0x9d: {  	s23 =	simm.s32 $0x1BFF;
	s22 =	sshll.u32 s8, $0x1;
	s5 =	sadd.s32 s6, s20  }
0x9e: {  	s9 =	simm.s32 $0x0;
	s21 =	sshll.u32 s7, $0x1;
	s7 =	sadd.s32 s22, s5  }
0x9f: {  	[timem:s9], [sflag:s23] =	dma.local [hbm:s7], s21  }
0xa0: {  	_ =	swait.ge [sflag:s23], s21  }
0xa1: {  	s6 =	ssub.s32 $0x0, s21;
	[sflag:s23] =	ssyncset.done $0x0  }
0xa2: {  	[sflag:s23] =	ssyncadd.s32 s6;
	_ =	sdelay $0x1  }
0xa3: {  	s24 =	simm.s32 $0x1B8B  }
0xa4: {  	_ =	swait.ge [sflag:s24], $0x1  }
0xa5: {  	[sflag:s24] =	ssyncset.done $0x0  }
0xa6: {  	s25 =	simm.s32 $0x1B8E;
	[sflag:s24] =	ssyncadd.s32 $0xFFFFFFFF  }
0xa7: {  	s26 =	simm.s32 $execute0_lowered;
	[smem:$0x3FD2] =	sst s25  }
0xa8: {  	s6 =	sshll.u32 s26, $0x1;
	_ =	strace $0x80000046;
	[dreg:$0x1] =	wrdreg $0xFFFFFFFF  }
0xa9: {  	s28 =	simm.s32 $_size_execute0_lowered;
	s5 =	sadd.s32 s5, s6;
	[dreg:$0x0] =	wrdreg $0x0  }
0xaa: {  	s6 =	sshll.u32 s28, $0x1;
	[dreg:$0x2] =	wrdreg s5  }
0xab: {  	[dreg:$0x3] =	wrdreg s6  }
0xac: {  	[dreg:$0x4] =	wrdreg $0xC0  }
0xad: {  	_ =	task [dreg:s9], $0x5FFFF  }
0xae: {  	[dreg:$0x1] =	wrdreg $0xFFFFFFFF  }
0xaf: {  	[dreg:$0x0] =	wrdreg $0x60  }
0xb0: {  	[dreg:$0x2] =	wrdreg s2  }
0xb1: {  	[dreg:$0x3] =	wrdreg s19  }
0xb2: {  	[dreg:$0x4] =	wrdreg s4  }
0xb3: {  	[dreg:$0x5] =	wrdreg $0x9  }
0xb4: {  	_ =	task.clear_ibuf [dreg:s9], $0x6FFFF;
	_ =	strace $0x90000046  }
0xb5: {  	s29 =	simm.s32 $0x9;
	_ =	strace $0x80000048  }
0xb6: {  	_ =	swait.ge [sflag:s29], $0x1  }
0xb7: {  	[sflag:s29] =	ssyncadd.s32 $0xFFFFFFFF  }
0xb8: {  	_ =	strace $0x90000048  }
0xb9: {  	_ =	sfence  }
0xba: {  	s30 =	sld [smem:$0x0];
	_ =	sdelay $0x2  }
0xbb: {  	s31 =	sshll.u32 s1, $0xD;
	s1 =	sshrl.u32 s1, $0x2  }
0xbc: {  	s3 =	sand.u32 $0x4000, s31;
	s1 =	sadd.s32 s1, s30  }
0xbd: {  	s0 =	sor.u32 s3, s0;
	s1 =	sshll.u32 s1, $0x11  }
0xbe: {  	s0 =	sor.u32 s1, s0  }
0xbf: {  	s0 =	sadd.s32 $0x8F2B, s0  }
0xc0: {  	[sflag:s0] =	ssyncadd.remote.s32 $0x1  }
0xc1: {  	_ =	sfence.sel $0xFFFF  }
0xc2: {  	[dreg:$0x0] =	wrdreg $0xFFFFFFFF;
	(pc) =	sbr.abs _section_cstart, $3  }
0xc3: {  	[dreg:$0x1] =	wrdreg $0xFFFFFFFF  }
0xc4: {  	_ =	task.clear_ibuf [dreg:s9], $0x2FFFF;
	_ =	strace $0x9FFFFFFF  }
0xc5: {  	(tm) =	ssettm $0x7FFFFFFF  }
tec
execute0_lowered:
.L_overlay_start_1:
0x0: {  	(tag) =	ssettag $0x1  }
0x1: {  	s0 =	srdreg.scid;
	s2 =	stileid.u32  }
0x2: {  	s1 =	sand.u32 $0x1, s0;
	s9 =	sshll.u32 s2, $0x1  }
0x3: {  	s8 =	stileid.u32;
	s17 =	sor.u32 s1, s9  }
0x4: {  	s31 =	rddreg [dreg:$0x1];
	s1 =	ssub.s32 $0x2, s1;
	s9 =	smul.u32 $0xD, s17  }
0x5: {  	p0 =	seq.s32 s8, $0xF;
	s12 =	smul.u32 $0x680, s17;
	s22 =	sshrl.u32 s1, $0x1  }
0x6: {  	p1 =	seq.s32 s17, $0x1E;
	s22 =	ssub.s32 s1, s22;
	s1 =	simm.s32 $0x0  }
0x7: {  	s7 =	sadd.s32 $0x1, s9;
	s13 =	sadd.s32 $0x2, s9;
	s6 =	sadd.s32 $0x3, s9  }
0x8: {  	s4 =	sadd.s32 $0x4, s9;
	s5 =	sadd.s32 $0x5, s9;
	s3 =	sadd.s32 $0x6, s9  }
0x9: {  	s0 =	sadd.s32 $0x7, s9;
	s2 =	sadd.s32 $0x8, s9;
	s8 =	sadd.s32 $0xFFFF3C80, s12  }
0xa: {  	s10 =	smov.u32 s12;
	s11 =	sadd.s32 $0xFFFF3D00, s12;
	s15 =	sadd.s32 $0xFFFF3D80, s12  }
0xb: {  	s16 =	sadd.s32 $0xFFFF3E00, s12;
	s18 =	sadd.s32 $0x9, s9;
	s19 =	sadd.s32 $0xFFFF3F00, s12  }
0xc: {  	s20 =	sadd.s32 $0xFFFF3F80, s12;
	s21 =	sadd.s32 $0xFFFF4000, s12;
	[smem:$0x7FF] =	sst s1  }
0xd: {  	s8 =	simm.s32 @p1 $0xC2D0;
	p1 =	seq.s32 s7, $0x186;
	p2 =	seq.s32 s6, $0x186  }
0xe: {  	s14 =	sshll.u32 s6, $0x7;
	s23 =	sshll.u32 s3, $0x7;
	s24 =	sshll.u32 s0, $0x7  }
0xf: {  	s25 =	sshll.u32 s2, $0x7;
	s26 =	sshll.u32 s18, $0x7;
	s6 =	sshll.u32 s6, $0xB  }
0x10: {  	s10 =	smov.u32 @p0 s8;
	s8 =	sshll.u32 s7, $0x7;
	s11 =	simm.s32 @p1 $0xC2D0  }
0x11: {  	p1 =	seq.s32 s13, $0x186;
	s16 =	simm.s32 @p2 $0xC2D0;
	p2 =	seq.s32 s0, $0x186  }
0x12: {  	s7 =	sshll.u32 s7, $0xB;
	s0 =	sshll.u32 s0, $0xB;
	s8 =	smov.u32 @p0 s11  }
0x13: {  	s11 =	sshll.u32 s13, $0x7;
	s15 =	simm.s32 @p1 $0xC2D0;
	s14 =	smov.u32 @p0 s16  }
0x14: {  	p1 =	seq.s32 s4, $0x186;
	s16 =	sadd.s32 $0xFFFF3E80, s12;
	s21 =	simm.s32 @p2 $0xC2D0  }
0x15: {  	s10 =	sshrl.u32 s10, $0x3;
	s13 =	sshll.u32 s13, $0xB;
	s11 =	smov.u32 @p0 s15  }
0x16: {  	s15 =	sshll.u32 s4, $0x7;
	s16 =	simm.s32 @p1 $0xC2D0;
	p1 =	seq.s32 s5, $0x186  }
0x17: {  	s24 =	smov.u32 @p0 s21;
	s21 =	sadd.s32 $0xFFFF4100, s12;
	s8 =	sshrl.u32 s8, $0x3  }
0x18: {  	s4 =	sshll.u32 s4, $0xB;
	s15 =	smov.u32 @p0 s16;
	s16 =	sshll.u32 s5, $0x7  }
0x19: {  	s19 =	simm.s32 @p1 $0xC2D0;
	p1 =	seq.s32 s3, $0x186;
	s8 =	sadd.s32 s31, s8  }
0x1a: {  	s11 =	sshrl.u32 s11, $0x3;
	s5 =	sshll.u32 s5, $0xB;
	s3 =	sshll.u32 s3, $0xB  }
0x1b: {  	s16 =	smov.u32 @p0 s19;
	s20 =	simm.s32 @p1 $0xC2D0;
	s19 =	sadd.s32 $0xA, s9  }
0x1c: {  	p1 =	seq.s32 s2, $0x186;
	[dreg:$0x5] =	wrdreg s8;
	s8 =	sadd.s32 s31, s11  }
0x1d: {  	s15 =	sshrl.u32 s15, $0x3;
	s2 =	sshll.u32 s2, $0xB;
	s23 =	smov.u32 @p0 s20  }
0x1e: {  	s20 =	sadd.s32 $0xFFFF4080, s12;
	s28 =	sshll.u32 s19, $0x7;
	[dreg:$0x6] =	wrdreg s8  }
0x1f: {  	s8 =	sadd.s32 s31, s15;
	s16 =	sshrl.u32 s16, $0x3;
	s20 =	simm.s32 @p1 $0xC2D0  }
0x20: {  	p1 =	seq.s32 s18, $0x186;
	[dreg:$0x8] =	wrdreg s8;
	s23 =	sshrl.u32 s23, $0x3  }
0x21: {  	s8 =	sadd.s32 s31, s16;
	s25 =	smov.u32 @p0 s20;
	s21 =	simm.s32 @p1 $0xC2D0  }
0x22: {  	p1 =	seq.s32 s19, $0x186;
	s26 =	smov.u32 @p0 s21;
	s21 =	sadd.s32 $0xFFFF4180, s12  }
0x23: {  	s20 =	sadd.s32 $0xB, s9;
	[dreg:$0x9] =	wrdreg s8;
	s21 =	simm.s32 @p1 $0xC2D0  }
0x24: {  	s29 =	sshll.u32 s20, $0x7;
	p1 =	seq.s32 s20, $0x186;
	s28 =	smov.u32 @p0 s21  }
0x25: {  	s21 =	sadd.s32 $0xC, s9;
	s9 =	sadd.s32 $0xFFFF4200, s12;
	s12 =	sadd.s32 $0xFFFF4280, s12  }
0x26: {  	p2 =	seq.s32 s21, $0x186;
	s9 =	simm.s32 @p1 $0xC2D0;
	s30 =	sshll.u32 s21, $0x7  }
0x27: {  	p1 =	seq.s32 s17, $0x1F;
	s12 =	simm.s32 @p2 $0xC2D0;
	s29 =	smov.u32 @p0 s9  }
0x28: {  	s9 =	sadd.s32 s31, s10;
	s10 =	sshrl.u32 s24, $0x3;
	p2 =	sne.s32 s17, $0x1E  }
0x29: {  	s30 =	smov.u32 @p0 s12;
	[dreg:$0x4] =	wrdreg s9;
	s12 =	sshrl.u32 s14, $0x3  }
0x2a: {  	s9 =	sadd.s32 s31, s23;
	s11 =	sadd.s32 s31, s10;
	s23 =	sshrl.u32 s28, $0x3  }
0x2b: {  	s28 =	simm.s32 $0x10;
	s14 =	sadd.s32 s31, s12;
	[dreg:$0xa] =	wrdreg s9  }
0x2c: {  	[dreg:$0xb] =	wrdreg s11;
	s12 =	sshrl.u32 s25, $0x3;
	s24 =	sadd.s32 s31, s23  }
0x2d: {  	s25 =	sshrl.u32 s29, $0x3;
	s8 =	sshrl.u32 s30, $0x3;
	s9 =	rddreg [dreg:$0x2]  }
0x2e: {  	s11 =	smul.u32 $0x6800, s17;
	s17 =	sshll.u32 s18, $0xB;
	[dreg:$0x7] =	wrdreg s14  }
0x2f: {  	s18 =	sshll.u32 s19, $0xB;
	s15 =	sadd.s32 s31, s12;
	[dreg:$0x1a] =	wrdreg s24  }
0x30: {  	s19 =	sshll.u32 s20, $0xB;
	s14 =	sshrl.u32 s26, $0x3;
	[dreg:$0xc] =	wrdreg s15  }
0x31: {  	s26 =	sadd.s32 s31, s25;
	s16 =	sadd.s32 s31, s14;
	s14 =	rddreg [dreg:$0x0]  }
0x32: {  	s29 =	simm.s32 $0x2;
	s10 =	sadd.s32 s31, s8;
	[dreg:$0x1b] =	wrdreg s26  }
0x33: {  	s30 =	simm.s32 $0xA;
	s23 =	simm.s32 $0xC;
	[dreg:$0x1c] =	wrdreg s10  }
0x34: {  	s7 =	sadd.s32 s9, s7;
	s12 =	sadd.s32 s9, s11;
	[dreg:$0x19] =	wrdreg s16  }
0x35: {  	s13 =	sadd.s32 s9, s13;
	_ =	strace $0x80000047;
	[dreg:$0x1d] =	wrdreg s12  }
0x36: {  	s6 =	sadd.s32 s9, s6;
	s4 =	sadd.s32 s9, s4;
	[dreg:$0xd] =	wrdreg s7  }
0x37: {  	s3 =	sadd.s32 s9, s3;
	s0 =	sadd.s32 s9, s0;
	[dreg:$0xe] =	wrdreg s13  }
0x38: {  	s20 =	sadd.s32 s9, s19;
	s24 =	sshll.u32 s21, $0xB;
	[dreg:$0xf] =	wrdreg s6  }
0x39: {  	s25 =	sadd.s32 $0xC3000, s9;
	s15 =	sadd.s32 s9, s5;
	[dreg:$0x10] =	wrdreg s4  }
0x3a: {  	s19 =	simm.s32 $0x1;
	s21 =	simm.s32 $0x9;
	[dreg:$0x11] =	wrdreg s15  }
0x3b: {  	s26 =	stileid.u32;
	s10 =	simm.s32 $0x380;
	[dreg:$0x12] =	wrdreg s3  }
0x3c: {  	s11 =	simm.s32 $0x400;
	s16 =	sadd.s32 s9, s2;
	[dreg:$0x13] =	wrdreg s0  }
0x3d: {  	s5 =	simm.s32 $0x19;
	s31 =	simm.s32 $0x600;
	[dreg:$0x14] =	wrdreg s16  }
0x3e: {  	p3 =	sne.s32 s26, $0xF;
	s26 =	simm.s32 $0x17;
	[dreg:$0x17] =	wrdreg s20  }
0x3f: {  	s2 =	simm.s32 $0x11;
	s0 =	sadd.s32 s9, s17;
	[dreg:$0x1e] =	wrdreg s25  }
0x40: {  	s13 =	smax.u32 s22, $0x1;
	s12 =	simm.s32 $0x480;
	s15 =	simm.s32 $0x500  }
0x41: {  	s16 =	simm.s32 $0x580;
	s17 =	simm.s32 $0x600;
	s20 =	simm.s32 $0x8  }
.Ltmp0:
0x42: {  	s22 =	simm.s32 $0xB;
	s25 =	simm.s32 $0xF;
	(pc) =	sbr.rel .LBB2_1-.Ltmp0, $4  }
0x43: {  	s3 =	simm.s32 $0x18;
	s4 =	simm.s32 $0x12;
	s6 =	simm.s32 $0x13  }
0x44: {  	s7 =	simm.s32 $0x1A;
	[dreg:$0x15] =	wrdreg s0;
	s0 =	sadd.s32 s9, s18  }
0x45: {  	s18 =	simm.s32 $0x16;
	[dreg:$0x16] =	wrdreg s0;
	s0 =	sadd.s32 s9, s24  }
0x46: {  	s24 =	simm.s32 $0xD;
	[dreg:$0x18] =	wrdreg s0;
	s0 =	simm.s32 $0x80  }
.LBB2_3:
0x47: {  	s9 =	simm.s32 $0x800  }
0x48: {  	[tilespmem:s9], [sflag:$0xE] =	stream.indirect.gather [hbm4b:s14+s0], $0x80, s11, s0, $0xb8;
	[tilespmem:$0x1C800] =	vst v63  }
0x49: {  	_ =	swait.ge [sflag:s25], $0x4000  }
0x4a: {  	[sflag:s25] =	ssyncset.done $0x0  }
0x4b: {  	s10 =	simm.s32 $0x4800;
	s8 =	rddreg [dreg:$0xd];
	[sflag:s25] =	ssyncadd.s32 $0xFFFFC000  }
0x4c: {  	[hbm4b:s8+s1] =	stream.linear.scatter [tilespmem:s10], [sflag:$0x16], $0x4000, $0x38;
	[tilespmem:$0x1C800] =	vst v63  }
0x4d: {  	_ =	swait.ge [sflag:s18], $0x4000  }
0x4e: {  	[sflag:s18] =	ssyncset.done $0x0  }
0x4f: {  	[sflag:s18] =	ssyncadd.s32 $0xFFFFC000  }
0x50: {  	_ =	swait.ge [sflag:s21], $0x80  }
0x51: {  	[sflag:s21] =	ssyncset.done $0x0  }
0x52: {  	[sflag:s21] =	ssyncadd.s32 $0xFFFFFF80  }
0x53: {  	[tilespmem:s10], [sflag:$0xF] =	stream.indirect.gather [hbm4b:s14+s0], $0x80, s12, s0, $0xb8;
	[tilespmem:$0x1C800] =	vst v63  }
0x54: {  	_ =	swait.ge [sflag:s28], $0x4000  }
0x55: {  	[sflag:s28] =	ssyncset.done $0x0  }
0x56: {  	s11 =	simm.s32 $0x8800;
	s12 =	rddreg [dreg:$0xe];
	[sflag:s28] =	ssyncadd.s32 $0xFFFFC000  }
0x57: {  	[hbm4b:s12+s1] =	stream.linear.scatter [tilespmem:s11], [sflag:$0x17], $0x4000, $0x38;
	[tilespmem:$0x1C800] =	vst v63  }
0x58: {  	_ =	swait.ge [sflag:s26], $0x4000  }
0x59: {  	[sflag:s26] =	ssyncset.done $0x0  }
0x5a: {  	[sflag:s26] =	ssyncadd.s32 $0xFFFFC000  }
0x5b: {  	_ =	swait.ge [sflag:s30], $0x80  }
0x5c: {  	[sflag:s30] =	ssyncset.done $0x0  }
0x5d: {  	[sflag:s30] =	ssyncadd.s32 $0xFFFFFF80  }
0x5e: {  	[tilespmem:s11], [sflag:$0x10] =	stream.indirect.gather [hbm4b:s14+s0], $0x80, s15, s0, $0xb8;
	[tilespmem:$0x1C800] =	vst v63  }
0x5f: {  	_ =	swait.ge [sflag:s2], $0x4000  }
0x60: {  	[sflag:s2] =	ssyncset.done $0x0  }
0x61: {  	s12 =	simm.s32 $0xC800;
	s15 =	rddreg [dreg:$0xf];
	[sflag:s2] =	ssyncadd.s32 $0xFFFFC000  }
0x62: {  	[hbm4b:s15+s1] =	stream.linear.scatter [tilespmem:s12], [sflag:$0x18], $0x4000, $0x38;
	[tilespmem:$0x1C800] =	vst v63  }
0x63: {  	_ =	swait.ge [sflag:s3], $0x4000  }
0x64: {  	[sflag:s3] =	ssyncset.done $0x0  }
0x65: {  	[sflag:s3] =	ssyncadd.s32 $0xFFFFC000  }
0x66: {  	_ =	swait.ge [sflag:s22], $0x80  }
0x67: {  	[sflag:s22] =	ssyncset.done $0x0  }
0x68: {  	[sflag:s22] =	ssyncadd.s32 $0xFFFFFF80  }
0x69: {  	[tilespmem:s12], [sflag:$0x11] =	stream.indirect.gather [hbm4b:s14+s0], $0x80, s16, s0, $0xb8;
	[tilespmem:$0x1C800] =	vst v63  }
0x6a: {  	_ =	swait.ge [sflag:s4], $0x4000  }
0x6b: {  	[sflag:s4] =	ssyncset.done $0x0  }
0x6c: {  	s15 =	simm.s32 $0x10800;
	s16 =	rddreg [dreg:$0x10];
	[sflag:s4] =	ssyncadd.s32 $0xFFFFC000  }
0x6d: {  	[hbm4b:s16+s1] =	stream.linear.scatter [tilespmem:s15], [sflag:$0x19], $0x4000, $0x38;
	[tilespmem:$0x1C800] =	vst v63  }
0x6e: {  	_ =	swait.ge [sflag:s5], $0x4000  }
0x6f: {  	[sflag:s5] =	ssyncset.done $0x0  }
0x70: {  	[sflag:s5] =	ssyncadd.s32 $0xFFFFC000  }
0x71: {  	_ =	swait.ge [sflag:s23], $0x80  }
0x72: {  	[sflag:s23] =	ssyncset.done $0x0  }
0x73: {  	[sflag:s23] =	ssyncadd.s32 $0xFFFFFF80  }
0x74: {  	[tilespmem:s15], [sflag:$0x12] =	stream.indirect.gather [hbm4b:s14+s0], $0x80, s17, s0, $0xb8;
	[tilespmem:$0x1C800] =	vst v63  }
0x75: {  	_ =	swait.ge [sflag:s6], $0x4000  }
0x76: {  	[sflag:s6] =	ssyncset.done $0x0  }
0x77: {  	s16 =	simm.s32 $0x14800;
	s17 =	rddreg [dreg:$0x11];
	[sflag:s6] =	ssyncadd.s32 $0xFFFFC000  }
0x78: {  	[hbm4b:s17+s1] =	stream.linear.scatter [tilespmem:s16], [sflag:$0x1A], $0x4000, $0x38;
	[tilespmem:$0x1C800] =	vst v63  }
0x79: {  	_ =	swait.ge [sflag:s7], $0x4000  }
0x7a: {  	[sflag:s7] =	ssyncset.done $0x0  }
0x7b: {  	[sflag:s7] =	ssyncadd.s32 $0xFFFFC000  }
0x7c: {  	_ =	swait.ge [sflag:s24], $0x80  }
0x7d: {  	[sflag:s24] =	ssyncset.done $0x0  }
0x7e: {  	s17 =	simm.s32 $0x14;
	[sflag:s24] =	ssyncadd.s32 $0xFFFFFF80  }
0x7f: {  	[tilespmem:s16], [sflag:$0x13] =	stream.indirect.gather [hbm4b:s14+s0], $0x80, s31, s0, $0xb8;
	[tilespmem:$0x1C800] =	vst v63  }
0x80: {  	_ =	swait.ge [sflag:s17], $0x4000  }
0x81: {  	[sflag:s17] =	ssyncset.done $0x0  }
0x82: {  	s8 =	rddreg [dreg:$0x12];
	[sflag:s17] =	ssyncadd.s32 $0xFFFFC000;
	s17 =	simm.s32 $0x18800  }
0x83: {  	[hbm4b:s8+s1] =	stream.linear.scatter [tilespmem:s17], [sflag:$0x1B], $0x4000, $0x38;
	[tilespmem:$0x1C800] =	vst v63  }
0x84: {  	s17 =	simm.s32 $0xE  }
0x85: {  	_ =	swait.ge [sflag:s17], $0x4000  }
0x86: {  	[sflag:s17] =	ssyncset.done $0x0  }
0x87: {  	[sflag:s17] =	ssyncadd.s32 $0xFFFFC000;
	s17 =	rddreg [dreg:$0x13]  }
0x88: {  	[hbm4b:s17+s1] =	stream.linear.scatter [tilespmem:s9], [sflag:$0x15], $0x4000, $0x38;
	[tilespmem:$0x1C800] =	vst v63  }
0x89: {  	_ =	swait.ge [sflag:s25], $0x4000  }
0x8a: {  	[sflag:s25] =	ssyncset.done $0x0  }
0x8b: {  	s9 =	rddreg [dreg:$0x14];
	[sflag:s25] =	ssyncadd.s32 $0xFFFFC000  }
0x8c: {  	[hbm4b:s9+s1] =	stream.linear.scatter [tilespmem:s10], [sflag:$0x16], $0x4000, $0x38;
	[tilespmem:$0x1C800] =	vst v63  }
0x8d: {  	_ =	swait.ge [sflag:s28], $0x4000  }
0x8e: {  	[sflag:s28] =	ssyncset.done $0x0  }
0x8f: {  	s10 =	rddreg [dreg:$0x15];
	[sflag:s28] =	ssyncadd.s32 $0xFFFFC000  }
0x90: {  	[hbm4b:s10+s1] =	stream.linear.scatter [tilespmem:s11], [sflag:$0x17], $0x4000, $0x38;
	[tilespmem:$0x1C800] =	vst v63  }
0x91: {  	_ =	swait.ge [sflag:s2], $0x4000  }
0x92: {  	[sflag:s2] =	ssyncset.done $0x0  }
0x93: {  	s11 =	rddreg [dreg:$0x16];
	[sflag:s2] =	ssyncadd.s32 $0xFFFFC000  }
0x94: {  	[hbm4b:s11+s1] =	stream.linear.scatter [tilespmem:s12], [sflag:$0x18], $0x4000, $0x38;
	[tilespmem:$0x1C800] =	vst v63  }
0x95: {  	_ =	swait.ge [sflag:s4], $0x4000  }
0x96: {  	[sflag:s4] =	ssyncset.done $0x0  }
0x97: {  	s12 =	rddreg [dreg:$0x17];
	[sflag:s4] =	ssyncadd.s32 $0xFFFFC000  }
0x98: {  	[hbm4b:s12+s1] =	stream.linear.scatter [tilespmem:s15], [sflag:$0x19], $0x4000, $0x38;
	[tilespmem:$0x1C800] =	vst v63  }
0x99: {  	_ =	swait.ge [sflag:s6], $0x4000  }
0x9a: {  	[sflag:s6] =	ssyncset.done $0x0  }
0x9b: {  	s15 =	rddreg [dreg:$0x18];
	[sflag:s6] =	ssyncadd.s32 $0xFFFFC000  }
0x9c: {  	[hbm4b:s15+s1] =	stream.linear.scatter [tilespmem:s16], [sflag:$0x1A], $0x4000, $0x38;
	[tilespmem:$0x1C800] =	vst v63  }
0x9d: {  	s16 =	simm.s32 $0x1B  }
0x9e: {  	_ =	swait.ge [sflag:s16], $0x4000  }
0x9f: {  	[sflag:s16] =	ssyncset.done $0x0  }
0xa0: {  	s17 =	simm.s32 $0x15;
	[sflag:s16] =	ssyncadd.s32 $0xFFFFC000  }
0xa1: {  	_ =	swait.ge [sflag:s17], $0x4000  }
0xa2: {  	[sflag:s17] =	ssyncset.done $0x0  }
0xa3: {  	[sflag:s17] =	ssyncadd.s32 $0xFFFFC000  }
0xa4: {  	_ =	swait.ge [sflag:s18], $0x4000  }
0xa5: {  	[sflag:s18] =	ssyncset.done $0x0  }
0xa6: {  	[sflag:s18] =	ssyncadd.s32 $0xFFFFC000  }
0xa7: {  	_ =	swait.ge [sflag:s26], $0x4000  }
0xa8: {  	[sflag:s26] =	ssyncset.done $0x0  }
0xa9: {  	[sflag:s26] =	ssyncadd.s32 $0xFFFFC000  }
0xaa: {  	_ =	swait.ge [sflag:s3], $0x4000  }
0xab: {  	[sflag:s3] =	ssyncset.done $0x0  }
0xac: {  	[sflag:s3] =	ssyncadd.s32 $0xFFFFC000  }
0xad: {  	_ =	swait.ge [sflag:s5], $0x4000  }
0xae: {  	[sflag:s5] =	ssyncset.done $0x0  }
0xaf: {  	[sflag:s5] =	ssyncadd.s32 $0xFFFFC000  }
0xb0: {  	s10 =	simm.s32 $0x380;
	s11 =	simm.s32 $0x400;
	_ =	swait.ge [sflag:s7], $0x4000  }
0xb1: {  	s12 =	simm.s32 $0x480;
	s15 =	simm.s32 $0x500;
	[sflag:s7] =	ssyncset.done $0x0  }
0xb2: {  	s16 =	simm.s32 $0x580;
	s17 =	simm.s32 $0x600;
	[sflag:s7] =	ssyncadd.s32 $0xFFFFC000  }
.LBB2_4:
0xb3: {  	s13 =	sadd.s32 $0xFFFFFFFF, s13  }
0xb4: {  	p4 =	sne.s32 s13, $0x0  }
.Ltmp1:
0xb5: {  	_ = 	snop;
	(pc) =	sbr.rel @!p4 .LBB2_5-.Ltmp1, $1  }
0xb6: {  	_ =	sdelay $0x3  }
.LBB2_1:
0xb7: {  	s8 =	rddreg [dreg:$0x4]  }
0xb8: {  	[tilespmem:s1], [sflag:$0x1] =	stream.linear.gather [hbm4b:s8+s1], $0x80, $0x38;
	[tilespmem:$0x1C800] =	vst v63  }
0xb9: {  	s9 =	rddreg [dreg:$0x5]  }
0xba: {  	[tilespmem:s0], [sflag:$0x2] =	stream.linear.gather [hbm4b:s9+s1], $0x80, $0x38;
	[tilespmem:$0x1C800] =	vst v63  }
0xbb: {  	s8 =	rddreg [dreg:$0x6];
	s9 =	simm.s32 $0x100  }
0xbc: {  	[tilespmem:s9], [sflag:$0x3] =	stream.linear.gather [hbm4b:s8+s1], $0x80, $0x38;
	[tilespmem:$0x1C800] =	vst v63  }
0xbd: {  	s8 =	rddreg [dreg:$0x7];
	s9 =	simm.s32 $0x180  }
0xbe: {  	[tilespmem:s9], [sflag:$0x4] =	stream.linear.gather [hbm4b:s8+s1], $0x80, $0x38;
	[tilespmem:$0x1C800] =	vst v63  }
0xbf: {  	s8 =	rddreg [dreg:$0x8];
	s9 =	simm.s32 $0x200  }
0xc0: {  	[tilespmem:s9], [sflag:$0x5] =	stream.linear.gather [hbm4b:s8+s1], $0x80, $0x38;
	[tilespmem:$0x1C800] =	vst v63  }
0xc1: {  	s8 =	rddreg [dreg:$0x9];
	s9 =	simm.s32 $0x280  }
0xc2: {  	[tilespmem:s9], [sflag:$0x6] =	stream.linear.gather [hbm4b:s8+s1], $0x80, $0x38;
	[tilespmem:$0x1C800] =	vst v63  }
0xc3: {  	s8 =	rddreg [dreg:$0xa];
	s9 =	simm.s32 $0x300  }
0xc4: {  	[tilespmem:s9], [sflag:$0x7] =	stream.linear.gather [hbm4b:s8+s1], $0x80, $0x38;
	[tilespmem:$0x1C800] =	vst v63  }
0xc5: {  	s9 =	rddreg [dreg:$0xb]  }
0xc6: {  	[tilespmem:s10], [sflag:$0x8] =	stream.linear.gather [hbm4b:s9+s1], $0x80, $0x38;
	[tilespmem:$0x1C800] =	vst v63  }
0xc7: {  	s10 =	rddreg [dreg:$0xc]  }
0xc8: {  	[tilespmem:s11], [sflag:$0x9] =	stream.linear.gather [hbm4b:s10+s1], $0x80, $0x38;
	[tilespmem:$0x1C800] =	vst v63  }
0xc9: {  	s11 =	rddreg [dreg:$0x19]  }
0xca: {  	[tilespmem:s12], [sflag:$0xA] =	stream.linear.gather [hbm4b:s11+s1], $0x80, $0x38;
	[tilespmem:$0x1C800] =	vst v63  }
0xcb: {  	s12 =	rddreg [dreg:$0x1a]  }
0xcc: {  	[tilespmem:s15], [sflag:$0xB] =	stream.linear.gather [hbm4b:s12+s1], $0x80, $0x38;
	[tilespmem:$0x1C800] =	vst v63  }
0xcd: {  	s15 =	rddreg [dreg:$0x1b]  }
0xce: {  	[tilespmem:s16], [sflag:$0xC] =	stream.linear.gather [hbm4b:s15+s1], $0x80, $0x38;
	[tilespmem:$0x1C800] =	vst v63  }
0xcf: {  	s16 =	rddreg [dreg:$0x1c]  }
0xd0: {  	[tilespmem:s17], [sflag:$0xD] =	stream.linear.gather [hbm4b:s16+s1], $0x80, $0x38;
	[tilespmem:$0x1C800] =	vst v63  }
0xd1: {  	_ =	swait.ge [sflag:s19], $0x80  }
0xd2: {  	s8 =	simm.s32 @!p1 $0x80;
	[sflag:s19] =	ssyncset.done $0x0  }
0xd3: {  	s9 =	simm.s32 @!p1 $0x0;
	s10 =	simm.s32 @!p1 $0x800;
	[sflag:s19] =	ssyncadd.s32 $0xFFFFFF80  }
0xd4: {  	[tilespmem:s10], [sflag:$0xE] =	stream.indirect.gather @!p1 [hbm4b:s14+s8], $0x80, s9, s8, $0xb8;
	[tilespmem:$0x1C800] =	vst v63  }
0xd5: {  	_ =	swait.ge [sflag:s29], $0x80  }
0xd6: {  	[sflag:s29] =	ssyncset.done $0x0  }
0xd7: {  	s8 =	simm.s32 @p3 $0x80;
	s9 =	simm.s32 @p3 $0x4800;
	[sflag:s29] =	ssyncadd.s32 $0xFFFFFF80  }
0xd8: {  	[tilespmem:s9], [sflag:$0xF] =	stream.indirect.gather @p3 [hbm4b:s14+s8], $0x80, s8, s8, $0xb8;
	[tilespmem:$0x1C800] =	vst v63  }
0xd9: {  	s9 =	simm.s32 @p3 $0x3  }
0xda: {  	_ =	swait.ge @p3 [sflag:s9], $0x80  }
0xdb: {  	[sflag:s9] =	ssyncset.done @p3 $0x0  }
0xdc: {  	s10 =	simm.s32 @p3 $0x8800;
	[sflag:s9] =	ssyncadd.s32 @p3 $0xFFFFFF80;
	s9 =	simm.s32 @p3 $0x100  }
0xdd: {  	[tilespmem:s10], [sflag:$0x10] =	stream.indirect.gather @p3 [hbm4b:s14+s8], $0x80, s9, s8, $0xb8;
	[tilespmem:$0x1C800] =	vst v63  }
0xde: {  	s9 =	simm.s32 @p3 $0x4  }
0xdf: {  	_ =	swait.ge @p3 [sflag:s9], $0x80  }
0xe0: {  	[sflag:s9] =	ssyncset.done @p3 $0x0  }
0xe1: {  	s10 =	simm.s32 @p3 $0xC800;
	[sflag:s9] =	ssyncadd.s32 @p3 $0xFFFFFF80;
	s9 =	simm.s32 @p3 $0x180  }
0xe2: {  	[tilespmem:s10], [sflag:$0x11] =	stream.indirect.gather @p3 [hbm4b:s14+s8], $0x80, s9, s8, $0xb8;
	[tilespmem:$0x1C800] =	vst v63  }
0xe3: {  	s9 =	simm.s32 @p3 $0x5  }
0xe4: {  	_ =	swait.ge @p3 [sflag:s9], $0x80  }
0xe5: {  	[sflag:s9] =	ssyncset.done @p3 $0x0  }
0xe6: {  	s10 =	simm.s32 @p3 $0x10800;
	[sflag:s9] =	ssyncadd.s32 @p3 $0xFFFFFF80;
	s9 =	simm.s32 @p3 $0x200  }
0xe7: {  	[tilespmem:s10], [sflag:$0x12] =	stream.indirect.gather @p3 [hbm4b:s14+s8], $0x80, s9, s8, $0xb8;
	[tilespmem:$0x1C800] =	vst v63  }
0xe8: {  	s9 =	simm.s32 @p3 $0x6  }
0xe9: {  	_ =	swait.ge @p3 [sflag:s9], $0x80  }
0xea: {  	[sflag:s9] =	ssyncset.done @p3 $0x0  }
0xeb: {  	s10 =	simm.s32 @p3 $0x14800;
	[sflag:s9] =	ssyncadd.s32 @p3 $0xFFFFFF80;
	s9 =	simm.s32 @p3 $0x280  }
0xec: {  	[tilespmem:s10], [sflag:$0x13] =	stream.indirect.gather @p3 [hbm4b:s14+s8], $0x80, s9, s8, $0xb8;
	[tilespmem:$0x1C800] =	vst v63  }
0xed: {  	s9 =	simm.s32 @p3 $0x7  }
0xee: {  	_ =	swait.ge @p3 [sflag:s9], $0x80  }
0xef: {  	[sflag:s9] =	ssyncset.done @p3 $0x0  }
0xf0: {  	s10 =	simm.s32 @p3 $0x18800;
	[sflag:s9] =	ssyncadd.s32 @p3 $0xFFFFFF80;
	s9 =	simm.s32 @p3 $0x300  }
0xf1: {  	[tilespmem:s10], [sflag:$0x14] =	stream.indirect.gather @p3 [hbm4b:s14+s8], $0x80, s9, s8, $0xb8;
	[tilespmem:$0x1C800] =	vst v63  }
0xf2: {  	s8 =	simm.s32 @!p3 $0x3  }
0xf3: {  	_ =	swait.ge @!p3 [sflag:s8], $0x80  }
0xf4: {  	[sflag:s8] =	ssyncset.done @!p3 $0x0  }
0xf5: {  	[sflag:s8] =	ssyncadd.s32 @!p3 $0xFFFFFF80;
	s8 =	simm.s32 @!p3 $0x4  }
0xf6: {  	_ =	swait.ge @!p3 [sflag:s8], $0x80  }
0xf7: {  	[sflag:s8] =	ssyncset.done @!p3 $0x0  }
0xf8: {  	[sflag:s8] =	ssyncadd.s32 @!p3 $0xFFFFFF80;
	s8 =	simm.s32 @!p3 $0x5  }
0xf9: {  	_ =	swait.ge @!p3 [sflag:s8], $0x80  }
0xfa: {  	[sflag:s8] =	ssyncset.done @!p3 $0x0  }
0xfb: {  	[sflag:s8] =	ssyncadd.s32 @!p3 $0xFFFFFF80;
	s8 =	simm.s32 @!p3 $0x6  }
0xfc: {  	_ =	swait.ge @!p3 [sflag:s8], $0x80  }
0xfd: {  	[sflag:s8] =	ssyncset.done @!p3 $0x0  }
0xfe: {  	[sflag:s8] =	ssyncadd.s32 @!p3 $0xFFFFFF80;
	s8 =	simm.s32 @!p3 $0x7  }
0xff: {  	_ =	swait.ge @!p3 [sflag:s8], $0x80  }
0x100: {  	[sflag:s8] =	ssyncset.done @!p3 $0x0  }
0x101: {  	[sflag:s8] =	ssyncadd.s32 @!p3 $0xFFFFFF80;
	s8 =	simm.s32 @!p1 $0xE  }
0x102: {  	_ =	swait.ge @!p1 [sflag:s8], $0x4000  }
0x103: {  	s9 =	simm.s32 @!p0 $0x800;
	[sflag:s8] =	ssyncset.done @!p1 $0x0  }
0x104: {  	s10 =	rddreg [dreg:$0x1d];
	[sflag:s8] =	ssyncadd.s32 @!p1 $0xFFFFC000;
	s8 =	simm.s32 @!p0 $0x0  }
0x105: {  	[hbm4b:s10+s8] =	stream.linear.scatter @!p0 [tilespmem:s9], [sflag:$0x15], $0x4000, $0x38;
	[tilespmem:$0x1C800] =	vst v63  }
0x106: {  	s8 =	simm.s32 @!p2 $0x0;
	s9 =	simm.s32 @!p2 $0x2000;
	s10 =	rddreg [dreg:$0x1e]  }
0x107: {  	[hbm4b:s10+s8] =	stream.linear.scatter @!p2 [tilespmem:s9], [sflag:$0x15], $0x2800, $0x38;
	[tilespmem:$0x1C800] =	vst v63  }
0x108: {  	s8 =	simm.s32 @!p0 $0x15  }
0x109: {  	_ =	swait.ge @!p0 [sflag:s8], $0x4000  }
0x10a: {  	[sflag:s8] =	ssyncset.done @!p0 $0x0  }
0x10b: {  	[sflag:s8] =	ssyncadd.s32 @!p0 $0xFFFFC000;
	s8 =	simm.s32 @!p2 $0x15  }
0x10c: {  	_ =	swait.ge @!p2 [sflag:s8], $0x2800  }
.Ltmp2:
0x10d: {  	[sflag:s8] =	ssyncset.done @!p2 $0x0;
	(pc) =	sbr.rel @p3 .LBB2_3-.Ltmp2, $4  }
0x10e: {  	[sflag:s8] =	ssyncadd.s32 @!p2 $0xFFFFD800  }
0x10f: {  	s11 =	simm.s32 $0x380;
	_ =	swait.ge [sflag:s20], $0x80  }
0x110: {  	s12 =	simm.s32 $0x400;
	s15 =	simm.s32 $0x480;
	[sflag:s20] =	ssyncset.done $0x0  }
0x111: {  	s17 =	simm.s32 $0x580;
	s16 =	simm.s32 $0x500;
	[sflag:s20] =	ssyncadd.s32 $0xFFFFFF80  }
0x112: {  	_ =	swait.ge [sflag:s21], $0x80  }
0x113: {  	[sflag:s21] =	ssyncset.done $0x0  }
0x114: {  	[sflag:s21] =	ssyncadd.s32 $0xFFFFFF80  }
0x115: {  	_ =	swait.ge [sflag:s30], $0x80  }
0x116: {  	[sflag:s30] =	ssyncset.done $0x0  }
0x117: {  	[sflag:s30] =	ssyncadd.s32 $0xFFFFFF80  }
0x118: {  	_ =	swait.ge [sflag:s22], $0x80  }
0x119: {  	[sflag:s22] =	ssyncset.done $0x0  }
0x11a: {  	[sflag:s22] =	ssyncadd.s32 $0xFFFFFF80  }
0x11b: {  	_ =	swait.ge [sflag:s23], $0x80  }
.Ltmp3:
0x11c: {  	[sflag:s23] =	ssyncset.done $0x0;
	(pc) =	sbr.rel .LBB2_4-.Ltmp3, $4  }
0x11d: {  	[sflag:s23] =	ssyncadd.s32 $0xFFFFFF80  }
0x11e: {  	s10 =	simm.s32 $0x380;
	s11 =	simm.s32 $0x400;
	_ =	swait.ge [sflag:s24], $0x80  }
0x11f: {  	s12 =	simm.s32 $0x480;
	s15 =	simm.s32 $0x500;
	[sflag:s24] =	ssyncset.done $0x0  }
0x120: {  	s16 =	simm.s32 $0x580;
	s17 =	simm.s32 $0x600;
	[sflag:s24] =	ssyncadd.s32 $0xFFFFFF80  }
.LBB2_5:
0x121: {  	_ =	sfence.sel $0x180000  }
0x122: {  	[bflag:$0x0] =	sbarrier.arrive $0xFFFF  }
0x123: {  	_ =	strace $0x90000047  }
0x124: {  	s0 =	stileid.u32;
	[bflag:$0x2] =	sbarrier.arrive $0xFFFF  }
0x125: {  	p0 =	sne.s32 s0, $0x0;
	s0 =	rddreg [dreg:$0x3]  }
0x126: {  	s0 =	sadd.s32 @!p0 $0x100000, s0  }
0x127: {  	[sflag:s0] =	ssyncadd.tile.s32 @!p0 $0x1;
	_ =	shalt  }
.Lfunc_end2:
_tile_overlayer_lowered:
.L_overlay_start_2:
0x128: {  	(tag) =	ssettag $0x2  }
0x129: {  	s0 =	rddreg [dreg:$0x0];
	s2 =	stileid.u32  }
0x12a: {  	s1 =	rddreg [dreg:$0x1];
	p0 =	sne.s32 s2, $0x0  }
0x12b: {  	s3 =	rddreg [dreg:$0x2];
	[bflag:$0x3] =	sbarrier.arrive $0xFFFF;
	s2 =	simm.s32 @!p0 $0x1C1C  }
0x12c: {  	[timem:s3], [sflag:s2] =	dma.local @!p0 [hbm:s0], s1  }
0x12d: {  	s0 =	simm.s32 @!p0 $0x1C  }
0x12e: {  	_ =	swait.ge @!p0 [sflag:s0], s1  }
0x12f: {  	s1 =	ssub.s32 @!p0 $0x0, s1;
	[sflag:s0] =	ssyncset.done @!p0 $0x0  }
0x130: {  	[sflag:s0] =	ssyncadd.s32 @!p0 s1  }
0x131: {  	[bflag:$0x3] =	sbarrier.arrive $0xFFFF  }
0x132: {  	_ =	shalt  }

</sc_bundles>
